<compile_context>
chip_gen: v7x
topology: tpu7x:2x2x1
jax: 0.10.2.dev20260603
libtpu: 0.0.44.dev20260713+nightly
codegen_flags: <defaults>
</compile_context>

<pallas_src>
import functools
import numpy as np
import jax
import jax.numpy as jnp
from jax import lax
from jax.experimental import pallas as pl
from jax.experimental.pallas import tpu as pltpu
from jax.experimental.pallas import tpu_sc as plsc

SR = 16000
WIN = 400
HOP = 160
NFFT = 512
NMELS = 80
NQUANT = 256
L_ENC = 320
L_DEC = 2047

B = 16
T = 16384
NFRAMES = 1 + (T - WIN) // HOP
TDEC = T - 2 * L_ENC
NBINS = NFFT // 2 + 1

QH = 128
TCOL = 128
NCH = TDEC // TCOL
NBUF = 2


def _mel_fb_np():
    def h2m(f):
        return 2595.0 * np.log10(1.0 + f / 700.0)

    def m2h(m):
        return 700.0 * (10.0 ** (m / 2595.0) - 1.0)

    pts = np.linspace(h2m(0.0), h2m(SR / 2.0), NMELS + 2)
    hz = m2h(pts)
    bins = np.floor((NFFT + 1) * hz / SR).astype(int)
    fb = np.zeros((NMELS, NBINS), dtype=np.float32)
    for i in range(1, NMELS + 1):
        l, c, r = bins[i - 1], bins[i], bins[i + 1]
        for j in range(l, c):
            fb[i - 1, j] = (j - l) / max(c - l, 1)
        for j in range(c, min(r, NBINS)):
            fb[i - 1, j] = (r - j) / max(r - c, 1)
    return fb


def _dft_mats_np():
    w = np.hanning(WIN).astype(np.float64)
    n = np.arange(WIN, dtype=np.float64)
    k = np.arange(NBINS, dtype=np.float64)
    ang = 2.0 * np.pi * np.outer(n, k) / NFFT
    cr = np.cos(ang) * w[:, None]
    ci = np.sin(ang) * w[:, None]
    crp = np.zeros((3 * HOP, NBINS))
    cip = np.zeros((3 * HOP, NBINS))
    crp[:WIN] = cr
    cip[:WIN] = ci
    return (crp.reshape(3, HOP, NBINS).astype(np.float32),
            cip.reshape(3, HOP, NBINS).astype(np.float32))


_FB_NP = _mel_fb_np()
_WR_NP, _WI_NP = _dft_mats_np()


def _codes_body(wavd_ref, code_ref):
    mu = NQUANT - 1
    x = wavd_ref[0]
    xc = jnp.clip(x, -1.0, 1.0)
    amp = jnp.sign(xc) * jnp.log1p(mu * jnp.abs(xc)) / np.log1p(mu)
    code_ref[0] = jnp.floor((amp + 1.0) * 0.5 * mu + 0.5).astype(jnp.int32)


def _mels_body(wav3_ref, wr_ref, wi_ref, fb_ref, mels_ref):
    a = wav3_ref[0]
    a0 = a[0:NFRAMES]
    a1 = a[1:NFRAMES + 1]
    a2 = a[2:NFRAMES + 2]
    f32 = jnp.float32
    re = (jnp.dot(a0, wr_ref[0], preferred_element_type=f32)
          + jnp.dot(a1, wr_ref[1], preferred_element_type=f32)
          + jnp.dot(a2, wr_ref[2], preferred_element_type=f32))
    im = (jnp.dot(a0, wi_ref[0], preferred_element_type=f32)
          + jnp.dot(a1, wi_ref[1], preferred_element_type=f32)
          + jnp.dot(a2, wi_ref[2], preferred_element_type=f32))
    spec = re * re + im * im
    melt = lax.dot_general(fb_ref[...], spec,
                           (((1,), (1,)), ((), ())),
                           preferred_element_type=f32)
    mels_ref[0] = jnp.log(melt + 1e-6)


def _sc_onehot_body(codes_hbm, zeros_hbm, oh_hbm,
                    codes_v, bufs, sems):
    wid = lax.axis_index("s") * 2 + lax.axis_index("c")
    b = wid // 2
    q0 = (wid % 2) * QH
    ones_v = jnp.full((16,), 1.0, jnp.float32)
    zeros_v = jnp.zeros((16,), jnp.float32)

    pltpu.sync_copy(codes_hbm.at[b], codes_v)
    for p in range(NBUF):
        pltpu.sync_copy(zeros_hbm, bufs[p])

    def scatter(buf, c, vals):
        for j in range(TCOL // 16):
            cj = codes_v[pl.ds(c * TCOL + 16 * j, 16)]
            cjl = cj - q0
            m = (cjl >= 0) & (cjl < QH)
            cjc = jnp.clip(cjl, 0, QH - 1)
            tj = lax.iota(jnp.int32, 16) + (16 * j)
            plsc.store_scatter(buf, [cjc, tj], vals, mask=m)

    def dst(c):
        return oh_hbm.at[b, pl.ds(q0, QH), pl.ds(c * TCOL, TCOL)]

    def chunk(p, c):
        @pl.when(c >= NBUF)
        def _():
            pltpu.make_async_copy(bufs[p], dst(c - NBUF), sems[p]).wait()
            scatter(bufs[p], c - NBUF, zeros_v)

        scatter(bufs[p], c, ones_v)
        pltpu.async_copy(bufs[p], dst(c), sems[p])

    def body(i, carry):
        for p in range(NBUF):
            chunk(p, NBUF * i + p)
        return carry

    lax.fori_loop(0, NCH // NBUF, body, 0)
    for c in range(NCH - NCH % NBUF, NCH):
        chunk(c % NBUF, c)
    for p in range(NBUF):
        last = NCH - 1 - (NCH - 1 - p) % NBUF
        pltpu.make_async_copy(bufs[p], dst(last), sems[p]).wait()


def kernel(inds_np, wav_np, quant_onehot):
    wav3 = wav_np[:, :102 * HOP].reshape(B, 102, HOP)
    wav_dec = lax.slice(wav_np, (0, L_ENC), (B, T - L_ENC)).reshape(B, 1, TDEC)

    codes = pl.pallas_call(
        _codes_body,
        grid=(B,),
        in_specs=[pl.BlockSpec((1, 1, TDEC), lambda b: (b, 0, 0))],
        out_specs=pl.BlockSpec((1, 1, TDEC), lambda b: (b, 0, 0)),
        out_shape=jax.ShapeDtypeStruct((B, 1, TDEC), jnp.int32),
    )(wav_dec)
    codes2 = codes.reshape(B, TDEC)

    mesh = plsc.VectorSubcoreMesh(core_axis_name="c", subcore_axis_name="s")
    sc_onehot = functools.partial(
        pl.kernel,
        mesh=mesh,
        out_type=jax.ShapeDtypeStruct((B, NQUANT, TDEC), jnp.float32),
        scratch_types=[
            pltpu.VMEM((TDEC,), jnp.int32),
            [pltpu.VMEM((QH, TCOL), jnp.float32) for _ in range(NBUF)],
            [pltpu.SemaphoreType.DMA for _ in range(NBUF)],
        ],
        compiler_params=pltpu.CompilerParams(needs_layout_passes=False),
    )(_sc_onehot_body)
    onehot = sc_onehot(codes2, jnp.zeros((QH, TCOL), jnp.float32))

    mels = pl.pallas_call(
        _mels_body,
        grid=(B,),
        in_specs=[
            pl.BlockSpec((1, 102, HOP), lambda b: (b, 0, 0)),
            pl.BlockSpec((3, HOP, NBINS), lambda b: (0, 0, 0)),
            pl.BlockSpec((3, HOP, NBINS), lambda b: (0, 0, 0)),
            pl.BlockSpec((NMELS, NBINS), lambda b: (0, 0)),
        ],
        out_specs=pl.BlockSpec((1, NMELS, NFRAMES), lambda b: (b, 0, 0)),
        out_shape=jax.ShapeDtypeStruct((B, NMELS, NFRAMES), jnp.float32),
    )(wav3, jnp.asarray(_WR_NP), jnp.asarray(_WI_NP), jnp.asarray(_FB_NP))

    wav_compand_out = lax.slice(codes2, (0, L_DEC), (B, TDEC))
    return (inds_np, mels, onehot, wav_compand_out)

# --- scband reference (transcript-rebuilt; emitter-appended) ---
"""Pipeline reference for scband-pre-process-45535243272251 (READ-ONLY COPY).

The authoritative reference and input builder live on the scoring server;
editing this copy changes nothing except your own understanding.
"""

import jax, jax.numpy as jnp
import numpy as np

SR = 16000
WIN = 400
HOP = 160
NFFT = 512
NMELS = 80
NQUANT = 256
# geometry set via set_geometry(enc_off, dec_off) in the original module
L_ENC, R_ENC = 320, -320
L_DEC, R_DEC = 2047, 0


def _mel_fb():
    def h2m(f):
        return 2595.0 * np.log10(1.0 + f / 700.0)

    def m2h(m):
        return 700.0 * (10.0 ** (m / 2595.0) - 1.0)

    pts = np.linspace(h2m(0.0), h2m(SR / 2.0), NMELS + 2)
    hz = m2h(pts)
    bins = np.floor((NFFT + 1) * hz / SR).astype(int)
    fb = np.zeros((NMELS, NFFT // 2 + 1), dtype=np.float32)
    for i in range(1, NMELS + 1):
        l, c, r = bins[i - 1], bins[i], bins[i + 1]
        for j in range(l, c):
            fb[i - 1, j] = (j - l) / max(c - l, 1)
        for j in range(c, min(r, NFFT // 2 + 1)):
            fb[i - 1, j] = (r - j) / max(r - c, 1)
    return fb


_FB = _mel_fb()
_WINDOW = np.hanning(WIN).astype(np.float32)


def _mfcc(wav):
    # faithful jax version of mfcc.ProcessWav.func applied along axis=1
    T = wav.shape[-1]
    nframes = 1 + (T - WIN) // HOP
    idx = np.arange(WIN)[None, :] + HOP * np.arange(nframes)[:, None]
    frames = wav[:, idx] * jnp.asarray(_WINDOW)  # (B, F, WIN) gather
    spec = jnp.abs(jnp.fft.rfft(frames, n=NFFT, axis=-1)) ** 2  # (B, F, NFFT//2+1)
    mel = jnp.log(spec @ jnp.asarray(_FB.T) + 1e-6)  # (B, F, NMELS)
    return jnp.transpose(mel, (0, 2, 1))  # (B, NMELS, F)


def _mu_encode(x, n_quant):
    # util.mu_encode_torch
    mu = n_quant - 1
    xc = jnp.clip(x, -1.0, 1.0)
    amp = jnp.sign(xc) * jnp.log1p(mu * jnp.abs(xc)) / np.log1p(mu)
    return jnp.floor((amp + 1.0) * 0.5 * mu + 0.5).astype(jnp.int32)


def setup_inputs(seed: int = 0) -> dict:
    key = jax.random.key(seed)
    k1, k2 = jax.random.split(key)
    inds_np = jax.random.randint(k1, (16,), 0, 100000, dtype=jnp.int32)
    wav_np = jax.random.normal(k2, (16, 16384), dtype=jnp.float32) * 0.5
    quant_onehot = jnp.eye(NQUANT, dtype=jnp.float32)  # registered buffer
    return {"inds_np": inds_np, "wav_np": wav_np, "quant_onehot": quant_onehot}


def reference(inds_np, wav_np, quant_onehot):
    mels = _mfcc(wav_np)
    wav_dec = wav_np[:, L_ENC:(R_ENC or None)]
    wav_compand_dec = _mu_encode(wav_dec, NQUANT)  # (B, T_dec) int
    wav_compand_out = wav_compand_dec[:, L_DEC:(R_DEC or None)]
    # one_hot: gather rows of the eye table then permute -> (B, Q, T_dec)
    wav_onehot_dec = jnp.transpose(quant_onehot[wav_compand_dec], (0, 2, 1))
    return (inds_np, mels, wav_onehot_dec, wav_compand_out)

if __name__ == "__main__":
    import jax
    _d = setup_inputs()
    print(jax.jit(kernel)(*tuple(_d.values())))

</pallas_src>

<mosaic_0001>
#map = affine_map<(d0, d1) -> (0, 0)>
#map1 = affine_map<(d0, d1) -> (0, 0, 0)>
module attributes {stable_mosaic.version = 14 : i64} {
  func.func @_sc_onehot_body(%arg0: i32, %arg1: i32, %arg2: memref<16x15744xi32, #tpu.memory_space<hbm>>, %arg3: memref<128x128xf32, #tpu.memory_space<hbm>>, %arg4: memref<16x256x15744xf32, #tpu.memory_space<hbm>>, %arg5: memref<15744xi32, #tpu.memory_space<vmem>>, %arg6: memref<128x128xf32, #tpu.memory_space<vmem>>, %arg7: memref<128x128xf32, #tpu.memory_space<vmem>>, %arg8: memref<!tpu.dma_semaphore, #tpu.memory_space<semaphore_mem>>, %arg9: memref<!tpu.dma_semaphore, #tpu.memory_space<semaphore_mem>>) attributes {dimension_semantics = [#tpu.dimension_semantics<core_parallel>, #tpu.dimension_semantics<subcore_parallel>], iteration_bounds = array<i64: 2, 16>, scalar_prefetch = 0 : i64, scratch_operands = 5 : i64, tpu.core_type = #tpu.core_type<sc_vector_subcore>, window_params = [{transform_indices = #map}, {transform_indices = #map}, {transform_indices = #map1}]} {
    %mul3A = arith.constant 2 : i32
    %mul3A_0 = arith.muli %arg1, %mul3A : i32
    %add3A = arith.addi %mul3A_0, %arg0 : i32
    %jit3A = arith.constant 2 : i32
    %div3A = arith.divsi %add3A, %jit3A : i32
    %sign3A = arith.constant 0 : i32
    %sign3A_1 = arith.cmpi sgt, %add3A, %sign3A : i32
    %sign3A_2 = arith.extui %sign3A_1 : i1 to i32
    %sign3A_3 = arith.constant 0 : i32
    %sign3A_4 = arith.cmpi slt, %add3A, %sign3A_3 : i32
    %sign3A_5 = arith.extui %sign3A_4 : i1 to i32
    %sign3A_6 = arith.subi %sign3A_2, %sign3A_5 : i32
    %sign3A_7 = arith.constant 0 : i32
    %sign3A_8 = arith.cmpi sgt, %jit3A, %sign3A_7 : i32
    %sign3A_9 = arith.extui %sign3A_8 : i1 to i32
    %sign3A_10 = arith.constant 0 : i32
    %sign3A_11 = arith.cmpi slt, %jit3A, %sign3A_10 : i32
    %sign3A_12 = arith.extui %sign3A_11 : i1 to i32
    %sign3A_13 = arith.subi %sign3A_9, %sign3A_12 : i32
    %ne3A = arith.cmpi ne, %sign3A_6, %sign3A_13 : i32
    %rem3A = arith.remsi %add3A, %jit3A : i32
    %ne3A_14 = arith.constant 0 : i32
    %ne3A_15 = arith.cmpi ne, %rem3A, %ne3A_14 : i32
    %and3A = arith.andi %ne3A, %ne3A_15 : i1
    %sub3A = arith.constant 1 : i32
    %sub3A_16 = arith.subi %div3A, %sub3A : i32
    %select_n3A = arith.select %and3A, %sub3A_16, %div3A : i32
    %jit3A_17 = arith.constant 2 : i32
    %eq3A = arith.constant 0 : i32
    %eq3A_18 = arith.cmpi eq, %jit3A_17, %eq3A : i32
    %jit3A_19 = arith.constant 1 : i32
    %select_n3A_20 = arith.select %eq3A_18, %jit3A_19, %jit3A_17 : i32
    %rem3A_21 = arith.remsi %add3A, %select_n3A_20 : i32
    %ne3A_22 = arith.constant 0 : i32
    %ne3A_23 = arith.cmpi ne, %rem3A_21, %ne3A_22 : i32
    %lt3A = arith.constant 0 : i32
    %lt3A_24 = arith.cmpi slt, %rem3A_21, %lt3A : i32
    %lt3A_25 = arith.constant 0 : i32
    %lt3A_26 = arith.cmpi slt, %select_n3A_20, %lt3A_25 : i32
    %ne3A_27 = arith.xori %lt3A_24, %lt3A_26 : i1
    %and3A_28 = arith.andi %ne3A_27, %ne3A_23 : i1
    %add3A_29 = arith.addi %rem3A_21, %select_n3A_20 : i32
    %select_n3A_30 = arith.select %and3A_28, %add3A_29, %rem3A_21 : i32
    %mul3A_31 = arith.constant 128 : i32
    %mul3A_32 = arith.muli %select_n3A_30, %mul3A_31 : i32
    %broadcast_in_dim3A = arith.constant 1.000000e+00 : f32
    %broadcast_in_dim3A_33 = vector.broadcast %broadcast_in_dim3A : f32 to vector<16xf32>
    %broadcast_in_dim3A_34 = arith.constant 0.000000e+00 : f32
    %broadcast_in_dim3A_35 = vector.broadcast %broadcast_in_dim3A_34 : f32 to vector<16xf32>
    "tpu.region"() ({
      %run_scoped3A = tpu.sem_alloc : memref<!tpu.dma_semaphore, #tpu.memory_space<semaphore_mem>>
      %dma_start3A_394 = arith.constant 0 : i32
      %dma_start3A_395 = tpu.memref_slice %arg2[%select_n3A, %dma_start3A_394] : memref<16x15744xi32, #tpu.memory_space<hbm>> -> memref<1x15744xi32, #tpu.memory_space<hbm>>
      %dma_start3A_396 = tpu.memref_squeeze %dma_start3A_395 : memref<1x15744xi32, #tpu.memory_space<hbm>> -> memref<15744xi32, #tpu.memory_space<hbm>>
      %dma_start3A_397 = arith.constant 0 : i32
      %dma_start3A_398 = tpu.memref_slice %arg2[%select_n3A, %dma_start3A_397] : memref<16x15744xi32, #tpu.memory_space<hbm>> -> memref<1x15744xi32, #tpu.memory_space<hbm>>
      %dma_start3A_399 = tpu.memref_squeeze %dma_start3A_398 : memref<1x15744xi32, #tpu.memory_space<hbm>> -> memref<15744xi32, #tpu.memory_space<hbm>>
      tpu.enqueue_dma source(%dma_start3A_399 : memref<15744xi32, #tpu.memory_space<hbm>>) target(%arg5 : memref<15744xi32, #tpu.memory_space<vmem>>) target_semaphore(%run_scoped3A : memref<!tpu.dma_semaphore, #tpu.memory_space<semaphore_mem>>)
      %dma_wait3A_400 = arith.constant 0 : i32
      %dma_wait3A_401 = tpu.memref_slice %arg2[%select_n3A, %dma_wait3A_400] : memref<16x15744xi32, #tpu.memory_space<hbm>> -> memref<1x15744xi32, #tpu.memory_space<hbm>>
      %dma_wait3A_402 = tpu.memref_squeeze %dma_wait3A_401 : memref<1x15744xi32, #tpu.memory_space<hbm>> -> memref<15744xi32, #tpu.memory_space<hbm>>
      %dma_wait3A_403 = arith.constant 0 : i32
      %dma_wait3A_404 = tpu.memref_slice %arg2[%select_n3A, %dma_wait3A_403] : memref<16x15744xi32, #tpu.memory_space<hbm>> -> memref<1x15744xi32, #tpu.memory_space<hbm>>
      %dma_wait3A_405 = tpu.memref_squeeze %dma_wait3A_404 : memref<1x15744xi32, #tpu.memory_space<hbm>> -> memref<15744xi32, #tpu.memory_space<hbm>>
      tpu.wait_dma2 semaphore(%run_scoped3A : memref<!tpu.dma_semaphore, #tpu.memory_space<semaphore_mem>>) src(%dma_wait3A_405 : memref<15744xi32, #tpu.memory_space<hbm>>) dst(%arg5 : memref<15744xi32, #tpu.memory_space<vmem>>)
      tpu.yield
    }) : () -> ()
    "tpu.region"() ({
      %run_scoped3A = tpu.sem_alloc : memref<!tpu.dma_semaphore, #tpu.memory_space<semaphore_mem>>
      tpu.enqueue_dma source(%arg3 : memref<128x128xf32, #tpu.memory_space<hbm>>) target(%arg6 : memref<128x128xf32, #tpu.memory_space<vmem>>) target_semaphore(%run_scoped3A : memref<!tpu.dma_semaphore, #tpu.memory_space<semaphore_mem>>)
      tpu.wait_dma2 semaphore(%run_scoped3A : memref<!tpu.dma_semaphore, #tpu.memory_space<semaphore_mem>>) src(%arg3 : memref<128x128xf32, #tpu.memory_space<hbm>>) dst(%arg6 : memref<128x128xf32, #tpu.memory_space<vmem>>)
      tpu.yield
    }) : () -> ()
    "tpu.region"() ({
      %run_scoped3A = tpu.sem_alloc : memref<!tpu.dma_semaphore, #tpu.memory_space<semaphore_mem>>
      tpu.enqueue_dma source(%arg3 : memref<128x128xf32, #tpu.memory_space<hbm>>) target(%arg7 : memref<128x128xf32, #tpu.memory_space<vmem>>) target_semaphore(%run_scoped3A : memref<!tpu.dma_semaphore, #tpu.memory_space<semaphore_mem>>)
      tpu.wait_dma2 semaphore(%run_scoped3A : memref<!tpu.dma_semaphore, #tpu.memory_space<semaphore_mem>>) src(%arg3 : memref<128x128xf32, #tpu.memory_space<hbm>>) dst(%arg7 : memref<128x128xf32, #tpu.memory_space<vmem>>)
      tpu.yield
    }) : () -> ()
    %scan3A = arith.constant 0 : i32
    %scan3A_36 = arith.constant 0 : i32
    %scan3A_37 = arith.constant 61 : i32
    %scan3A_38 = arith.addi %scan3A_36, %scan3A_37 : i32
    %scan3A_39 = arith.constant 1 : i32
    scf.for %scan3A_394 = %scan3A_36 to %scan3A_38 step %scan3A_39  : i32 {
      %mul3A_395 = arith.constant 2 : i32
      %mul3A_396 = arith.muli %mul3A_395, %scan3A_394 : i32
      %add3A_397 = arith.constant 0 : i32
      %add3A_398 = arith.addi %mul3A_396, %add3A_397 : i32
      %ge3A_399 = arith.constant 2 : i32
      %ge3A_400 = arith.cmpi sge, %add3A_398, %ge3A_399 : i32
      %convert_element_type3A = arith.extui %ge3A_400 : i1 to i32
      %cond3A = arith.constant 0 : i32
      %cond3A_401 = arith.cmpi ne, %convert_element_type3A, %cond3A : i32
      scf.if %cond3A_401 {
        %sub3A_823 = arith.constant 2 : i32
        %sub3A_824 = arith.subi %add3A_398, %sub3A_823 : i32
        %mul3A_825 = arith.constant 128 : i32
        %mul3A_826 = arith.muli %sub3A_824, %mul3A_825 : i32
        %dma_wait3A_827 = tpu.memref_slice %arg4[%select_n3A, %mul3A_32, %mul3A_826] : memref<16x256x15744xf32, #tpu.memory_space<hbm>> -> memref<1x128x128xf32, #tpu.memory_space<hbm>>
        %dma_wait3A_828 = tpu.memref_squeeze %dma_wait3A_827 : memref<1x128x128xf32, #tpu.memory_space<hbm>> -> memref<128x128xf32, #tpu.memory_space<hbm>>
        %dma_wait3A_829 = tpu.memref_slice %arg4[%select_n3A, %mul3A_32, %mul3A_826] : memref<16x256x15744xf32, #tpu.memory_space<hbm>> -> memref<1x128x128xf32, #tpu.memory_space<hbm>>
        %dma_wait3A_830 = tpu.memref_squeeze %dma_wait3A_829 : memref<1x128x128xf32, #tpu.memory_space<hbm>> -> memref<128x128xf32, #tpu.memory_space<hbm>>
        tpu.wait_dma2 semaphore(%arg8 : memref<!tpu.dma_semaphore, #tpu.memory_space<semaphore_mem>>) src(%arg6 : memref<128x128xf32, #tpu.memory_space<vmem>>) dst(%dma_wait3A_830 : memref<128x128xf32, #tpu.memory_space<hbm>>)
        %sub3A_831 = arith.constant 2 : i32
        %sub3A_832 = arith.subi %add3A_398, %sub3A_831 : i32
        %mul3A_833 = arith.constant 128 : i32
        %mul3A_834 = arith.muli %sub3A_832, %mul3A_833 : i32
        %add3A_835 = arith.constant 0 : i32
        %add3A_836 = arith.addi %mul3A_834, %add3A_835 : i32
        %get3A_837 = arith.index_cast %add3A_836 : i32 to index
        %get3A_838 = tpu.vector_load %arg5[%get3A_837] {strides = array<i32>} : memref<15744xi32, #tpu.memory_space<vmem>>, vector<16xi32>,
        %sub3A_839 = vector.broadcast %mul3A_32 : i32 to vector<16xi32>
        %sub3A_840 = arith.subi %get3A_838, %sub3A_839 : vector<16xi32>
        %ge3A_841 = arith.constant 0 : i32
        %ge3A_842 = vector.broadcast %ge3A_841 : i32 to vector<16xi32>
        %ge3A_843 = arith.cmpi sge, %sub3A_840, %ge3A_842 : vector<16xi32>
        %lt3A_844 = arith.constant 128 : i32
        %lt3A_845 = vector.broadcast %lt3A_844 : i32 to vector<16xi32>
        %lt3A_846 = arith.cmpi slt, %sub3A_840, %lt3A_845 : vector<16xi32>
        %and3A_847 = arith.andi %ge3A_843, %lt3A_846 : vector<16xi1>
        %jit3A_848 = arith.constant 0 : i32
        %jit3A_849 = arith.constant 127 : i32
        %max3A_850 = vector.broadcast %jit3A_848 : i32 to vector<16xi32>
        %max3A_851 = arith.maxsi %max3A_850, %sub3A_840 : vector<16xi32>
        %min3A_852 = vector.broadcast %jit3A_849 : i32 to vector<16xi32>
        %min3A_853 = arith.minsi %min3A_852, %max3A_851 : vector<16xi32>
        %iota3A_854 = tpu.iota {dimensions = array<i32: 0>} : vector<16xi32>
        %add3A_855 = arith.constant 0 : i32
        %add3A_856 = vector.broadcast %add3A_855 : i32 to vector<16xi32>
        %add3A_857 = arith.addi %iota3A_854, %add3A_856 : vector<16xi32>
        tpu.vector_store_idx %arg6[%min3A_853, %add3A_857], %broadcast_in_dim3A_35 masked %and3A_847 : memref<128x128xf32, #tpu.memory_space<vmem>>[vector<16xi32>, vector<16xi32>], vector<16xf32>, vector<16xi1>
        %mul3A_858 = arith.constant 128 : i32
        %mul3A_859 = arith.muli %sub3A_832, %mul3A_858 : i32
        %add3A_860 = arith.constant 16 : i32
        %add3A_861 = arith.addi %mul3A_859, %add3A_860 : i32
        %get3A_862 = arith.index_cast %add3A_861 : i32 to index
        %get3A_863 = tpu.vector_load %arg5[%get3A_862] {strides = array<i32>} : memref<15744xi32, #tpu.memory_space<vmem>>, vector<16xi32>,
        %sub3A_864 = vector.broadcast %mul3A_32 : i32 to vector<16xi32>
        %sub3A_865 = arith.subi %get3A_863, %sub3A_864 : vector<16xi32>
        %ge3A_866 = arith.constant 0 : i32
        %ge3A_867 = vector.broadcast %ge3A_866 : i32 to vector<16xi32>
        %ge3A_868 = arith.cmpi sge, %sub3A_865, %ge3A_867 : vector<16xi32>
        %lt3A_869 = arith.constant 128 : i32
        %lt3A_870 = vector.broadcast %lt3A_869 : i32 to vector<16xi32>
        %lt3A_871 = arith.cmpi slt, %sub3A_865, %lt3A_870 : vector<16xi32>
        %and3A_872 = arith.andi %ge3A_868, %lt3A_871 : vector<16xi1>
        %jit3A_873 = arith.constant 0 : i32
        %jit3A_874 = arith.constant 127 : i32
        %max3A_875 = vector.broadcast %jit3A_873 : i32 to vector<16xi32>
        %max3A_876 = arith.maxsi %max3A_875, %sub3A_865 : vector<16xi32>
        %min3A_877 = vector.broadcast %jit3A_874 : i32 to vector<16xi32>
        %min3A_878 = arith.minsi %min3A_877, %max3A_876 : vector<16xi32>
        %iota3A_879 = tpu.iota {dimensions = array<i32: 0>} : vector<16xi32>
        %add3A_880 = arith.constant 16 : i32
        %add3A_881 = vector.broadcast %add3A_880 : i32 to vector<16xi32>
        %add3A_882 = arith.addi %iota3A_879, %add3A_881 : vector<16xi32>
        tpu.vector_store_idx %arg6[%min3A_878, %add3A_882], %broadcast_in_dim3A_35 masked %and3A_872 : memref<128x128xf32, #tpu.memory_space<vmem>>[vector<16xi32>, vector<16xi32>], vector<16xf32>, vector<16xi1>
        %mul3A_883 = arith.constant 128 : i32
        %mul3A_884 = arith.muli %sub3A_832, %mul3A_883 : i32
        %add3A_885 = arith.constant 32 : i32
        %add3A_886 = arith.addi %mul3A_884, %add3A_885 : i32
        %get3A_887 = arith.index_cast %add3A_886 : i32 to index
        %get3A_888 = tpu.vector_load %arg5[%get3A_887] {strides = array<i32>} : memref<15744xi32, #tpu.memory_space<vmem>>, vector<16xi32>,
        %sub3A_889 = vector.broadcast %mul3A_32 : i32 to vector<16xi32>
        %sub3A_890 = arith.subi %get3A_888, %sub3A_889 : vector<16xi32>
        %ge3A_891 = arith.constant 0 : i32
        %ge3A_892 = vector.broadcast %ge3A_891 : i32 to vector<16xi32>
        %ge3A_893 = arith.cmpi sge, %sub3A_890, %ge3A_892 : vector<16xi32>
        %lt3A_894 = arith.constant 128 : i32
        %lt3A_895 = vector.broadcast %lt3A_894 : i32 to vector<16xi32>
        %lt3A_896 = arith.cmpi slt, %sub3A_890, %lt3A_895 : vector<16xi32>
        %and3A_897 = arith.andi %ge3A_893, %lt3A_896 : vector<16xi1>
        %jit3A_898 = arith.constant 0 : i32
        %jit3A_899 = arith.constant 127 : i32
        %max3A_900 = vector.broadcast %jit3A_898 : i32 to vector<16xi32>
        %max3A_901 = arith.maxsi %max3A_900, %sub3A_890 : vector<16xi32>
        %min3A_902 = vector.broadcast %jit3A_899 : i32 to vector<16xi32>
        %min3A_903 = arith.minsi %min3A_902, %max3A_901 : vector<16xi32>
        %iota3A_904 = tpu.iota {dimensions = array<i32: 0>} : vector<16xi32>
        %add3A_905 = arith.constant 32 : i32
        %add3A_906 = vector.broadcast %add3A_905 : i32 to vector<16xi32>
        %add3A_907 = arith.addi %iota3A_904, %add3A_906 : vector<16xi32>
        tpu.vector_store_idx %arg6[%min3A_903, %add3A_907], %broadcast_in_dim3A_35 masked %and3A_897 : memref<128x128xf32, #tpu.memory_space<vmem>>[vector<16xi32>, vector<16xi32>], vector<16xf32>, vector<16xi1>
        %mul3A_908 = arith.constant 128 : i32
        %mul3A_909 = arith.muli %sub3A_832, %mul3A_908 : i32
        %add3A_910 = arith.constant 48 : i32
        %add3A_911 = arith.addi %mul3A_909, %add3A_910 : i32
        %get3A_912 = arith.index_cast %add3A_911 : i32 to index
        %get3A_913 = tpu.vector_load %arg5[%get3A_912] {strides = array<i32>} : memref<15744xi32, #tpu.memory_space<vmem>>, vector<16xi32>,
        %sub3A_914 = vector.broadcast %mul3A_32 : i32 to vector<16xi32>
        %sub3A_915 = arith.subi %get3A_913, %sub3A_914 : vector<16xi32>
        %ge3A_916 = arith.constant 0 : i32
        %ge3A_917 = vector.broadcast %ge3A_916 : i32 to vector<16xi32>
        %ge3A_918 = arith.cmpi sge, %sub3A_915, %ge3A_917 : vector<16xi32>
        %lt3A_919 = arith.constant 128 : i32
        %lt3A_920 = vector.broadcast %lt3A_919 : i32 to vector<16xi32>
        %lt3A_921 = arith.cmpi slt, %sub3A_915, %lt3A_920 : vector<16xi32>
        %and3A_922 = arith.andi %ge3A_918, %lt3A_921 : vector<16xi1>
        %jit3A_923 = arith.constant 0 : i32
        %jit3A_924 = arith.constant 127 : i32
        %max3A_925 = vector.broadcast %jit3A_923 : i32 to vector<16xi32>
        %max3A_926 = arith.maxsi %max3A_925, %sub3A_915 : vector<16xi32>
        %min3A_927 = vector.broadcast %jit3A_924 : i32 to vector<16xi32>
        %min3A_928 = arith.minsi %min3A_927, %max3A_926 : vector<16xi32>
        %iota3A_929 = tpu.iota {dimensions = array<i32: 0>} : vector<16xi32>
        %add3A_930 = arith.constant 48 : i32
        %add3A_931 = vector.broadcast %add3A_930 : i32 to vector<16xi32>
        %add3A_932 = arith.addi %iota3A_929, %add3A_931 : vector<16xi32>
        tpu.vector_store_idx %arg6[%min3A_928, %add3A_932], %broadcast_in_dim3A_35 masked %and3A_922 : memref<128x128xf32, #tpu.memory_space<vmem>>[vector<16xi32>, vector<16xi32>], vector<16xf32>, vector<16xi1>
        %mul3A_933 = arith.constant 128 : i32
        %mul3A_934 = arith.muli %sub3A_832, %mul3A_933 : i32
        %add3A_935 = arith.constant 64 : i32
        %add3A_936 = arith.addi %mul3A_934, %add3A_935 : i32
        %get3A_937 = arith.index_cast %add3A_936 : i32 to index
        %get3A_938 = tpu.vector_load %arg5[%get3A_937] {strides = array<i32>} : memref<15744xi32, #tpu.memory_space<vmem>>, vector<16xi32>,
        %sub3A_939 = vector.broadcast %mul3A_32 : i32 to vector<16xi32>
        %sub3A_940 = arith.subi %get3A_938, %sub3A_939 : vector<16xi32>
        %ge3A_941 = arith.constant 0 : i32
        %ge3A_942 = vector.broadcast %ge3A_941 : i32 to vector<16xi32>
        %ge3A_943 = arith.cmpi sge, %sub3A_940, %ge3A_942 : vector<16xi32>
        %lt3A_944 = arith.constant 128 : i32
        %lt3A_945 = vector.broadcast %lt3A_944 : i32 to vector<16xi32>
        %lt3A_946 = arith.cmpi slt, %sub3A_940, %lt3A_945 : vector<16xi32>
        %and3A_947 = arith.andi %ge3A_943, %lt3A_946 : vector<16xi1>
        %jit3A_948 = arith.constant 0 : i32
        %jit3A_949 = arith.constant 127 : i32
        %max3A_950 = vector.broadcast %jit3A_948 : i32 to vector<16xi32>
        %max3A_951 = arith.maxsi %max3A_950, %sub3A_940 : vector<16xi32>
        %min3A_952 = vector.broadcast %jit3A_949 : i32 to vector<16xi32>
        %min3A_953 = arith.minsi %min3A_952, %max3A_951 : vector<16xi32>
        %iota3A_954 = tpu.iota {dimensions = array<i32: 0>} : vector<16xi32>
        %add3A_955 = arith.constant 64 : i32
        %add3A_956 = vector.broadcast %add3A_955 : i32 to vector<16xi32>
        %add3A_957 = arith.addi %iota3A_954, %add3A_956 : vector<16xi32>
        tpu.vector_store_idx %arg6[%min3A_953, %add3A_957], %broadcast_in_dim3A_35 masked %and3A_947 : memref<128x128xf32, #tpu.memory_space<vmem>>[vector<16xi32>, vector<16xi32>], vector<16xf32>, vector<16xi1>
        %mul3A_958 = arith.constant 128 : i32
        %mul3A_959 = arith.muli %sub3A_832, %mul3A_958 : i32
        %add3A_960 = arith.constant 80 : i32
        %add3A_961 = arith.addi %mul3A_959, %add3A_960 : i32
        %get3A_962 = arith.index_cast %add3A_961 : i32 to index
        %get3A_963 = tpu.vector_load %arg5[%get3A_962] {strides = array<i32>} : memref<15744xi32, #tpu.memory_space<vmem>>, vector<16xi32>,
        %sub3A_964 = vector.broadcast %mul3A_32 : i32 to vector<16xi32>
        %sub3A_965 = arith.subi %get3A_963, %sub3A_964 : vector<16xi32>
        %ge3A_966 = arith.constant 0 : i32
        %ge3A_967 = vector.broadcast %ge3A_966 : i32 to vector<16xi32>
        %ge3A_968 = arith.cmpi sge, %sub3A_965, %ge3A_967 : vector<16xi32>
        %lt3A_969 = arith.constant 128 : i32
        %lt3A_970 = vector.broadcast %lt3A_969 : i32 to vector<16xi32>
        %lt3A_971 = arith.cmpi slt, %sub3A_965, %lt3A_970 : vector<16xi32>
        %and3A_972 = arith.andi %ge3A_968, %lt3A_971 : vector<16xi1>
        %jit3A_973 = arith.constant 0 : i32
        %jit3A_974 = arith.constant 127 : i32
        %max3A_975 = vector.broadcast %jit3A_973 : i32 to vector<16xi32>
        %max3A_976 = arith.maxsi %max3A_975, %sub3A_965 : vector<16xi32>
        %min3A_977 = vector.broadcast %jit3A_974 : i32 to vector<16xi32>
        %min3A_978 = arith.minsi %min3A_977, %max3A_976 : vector<16xi32>
        %iota3A_979 = tpu.iota {dimensions = array<i32: 0>} : vector<16xi32>
        %add3A_980 = arith.constant 80 : i32
        %add3A_981 = vector.broadcast %add3A_980 : i32 to vector<16xi32>
        %add3A_982 = arith.addi %iota3A_979, %add3A_981 : vector<16xi32>
        tpu.vector_store_idx %arg6[%min3A_978, %add3A_982], %broadcast_in_dim3A_35 masked %and3A_972 : memref<128x128xf32, #tpu.memory_space<vmem>>[vector<16xi32>, vector<16xi32>], vector<16xf32>, vector<16xi1>
        %mul3A_983 = arith.constant 128 : i32
        %mul3A_984 = arith.muli %sub3A_832, %mul3A_983 : i32
        %add3A_985 = arith.constant 96 : i32
        %add3A_986 = arith.addi %mul3A_984, %add3A_985 : i32
        %get3A_987 = arith.index_cast %add3A_986 : i32 to index
        %get3A_988 = tpu.vector_load %arg5[%get3A_987] {strides = array<i32>} : memref<15744xi32, #tpu.memory_space<vmem>>, vector<16xi32>,
        %sub3A_989 = vector.broadcast %mul3A_32 : i32 to vector<16xi32>
        %sub3A_990 = arith.subi %get3A_988, %sub3A_989 : vector<16xi32>
        %ge3A_991 = arith.constant 0 : i32
        %ge3A_992 = vector.broadcast %ge3A_991 : i32 to vector<16xi32>
        %ge3A_993 = arith.cmpi sge, %sub3A_990, %ge3A_992 : vector<16xi32>
        %lt3A_994 = arith.constant 128 : i32
        %lt3A_995 = vector.broadcast %lt3A_994 : i32 to vector<16xi32>
        %lt3A_996 = arith.cmpi slt, %sub3A_990, %lt3A_995 : vector<16xi32>
        %and3A_997 = arith.andi %ge3A_993, %lt3A_996 : vector<16xi1>
        %jit3A_998 = arith.constant 0 : i32
        %jit3A_999 = arith.constant 127 : i32
        %max3A_1000 = vector.broadcast %jit3A_998 : i32 to vector<16xi32>
        %max3A_1001 = arith.maxsi %max3A_1000, %sub3A_990 : vector<16xi32>
        %min3A_1002 = vector.broadcast %jit3A_999 : i32 to vector<16xi32>
        %min3A_1003 = arith.minsi %min3A_1002, %max3A_1001 : vector<16xi32>
        %iota3A_1004 = tpu.iota {dimensions = array<i32: 0>} : vector<16xi32>
        %add3A_1005 = arith.constant 96 : i32
        %add3A_1006 = vector.broadcast %add3A_1005 : i32 to vector<16xi32>
        %add3A_1007 = arith.addi %iota3A_1004, %add3A_1006 : vector<16xi32>
        tpu.vector_store_idx %arg6[%min3A_1003, %add3A_1007], %broadcast_in_dim3A_35 masked %and3A_997 : memref<128x128xf32, #tpu.memory_space<vmem>>[vector<16xi32>, vector<16xi32>], vector<16xf32>, vector<16xi1>
        %mul3A_1008 = arith.constant 128 : i32
        %mul3A_1009 = arith.muli %sub3A_832, %mul3A_1008 : i32
        %add3A_1010 = arith.constant 112 : i32
        %add3A_1011 = arith.addi %mul3A_1009, %add3A_1010 : i32
        %get3A_1012 = arith.index_cast %add3A_1011 : i32 to index
        %get3A_1013 = tpu.vector_load %arg5[%get3A_1012] {strides = array<i32>} : memref<15744xi32, #tpu.memory_space<vmem>>, vector<16xi32>,
        %sub3A_1014 = vector.broadcast %mul3A_32 : i32 to vector<16xi32>
        %sub3A_1015 = arith.subi %get3A_1013, %sub3A_1014 : vector<16xi32>
        %ge3A_1016 = arith.constant 0 : i32
        %ge3A_1017 = vector.broadcast %ge3A_1016 : i32 to vector<16xi32>
        %ge3A_1018 = arith.cmpi sge, %sub3A_1015, %ge3A_1017 : vector<16xi32>
        %lt3A_1019 = arith.constant 128 : i32
        %lt3A_1020 = vector.broadcast %lt3A_1019 : i32 to vector<16xi32>
        %lt3A_1021 = arith.cmpi slt, %sub3A_1015, %lt3A_1020 : vector<16xi32>
        %and3A_1022 = arith.andi %ge3A_1018, %lt3A_1021 : vector<16xi1>
        %jit3A_1023 = arith.constant 0 : i32
        %jit3A_1024 = arith.constant 127 : i32
        %max3A_1025 = vector.broadcast %jit3A_1023 : i32 to vector<16xi32>
        %max3A_1026 = arith.maxsi %max3A_1025, %sub3A_1015 : vector<16xi32>
        %min3A_1027 = vector.broadcast %jit3A_1024 : i32 to vector<16xi32>
        %min3A_1028 = arith.minsi %min3A_1027, %max3A_1026 : vector<16xi32>
        %iota3A_1029 = tpu.iota {dimensions = array<i32: 0>} : vector<16xi32>
        %add3A_1030 = arith.constant 112 : i32
        %add3A_1031 = vector.broadcast %add3A_1030 : i32 to vector<16xi32>
        %add3A_1032 = arith.addi %iota3A_1029, %add3A_1031 : vector<16xi32>
        tpu.vector_store_idx %arg6[%min3A_1028, %add3A_1032], %broadcast_in_dim3A_35 masked %and3A_1022 : memref<128x128xf32, #tpu.memory_space<vmem>>[vector<16xi32>, vector<16xi32>], vector<16xf32>, vector<16xi1>
      } else {
      }
      %mul3A_402 = arith.constant 128 : i32
      %mul3A_403 = arith.muli %add3A_398, %mul3A_402 : i32
      %add3A_404 = arith.constant 0 : i32
      %add3A_405 = arith.addi %mul3A_403, %add3A_404 : i32
      %get3A_406 = arith.index_cast %add3A_405 : i32 to index
      %get3A_407 = tpu.vector_load %arg5[%get3A_406] {strides = array<i32>} : memref<15744xi32, #tpu.memory_space<vmem>>, vector<16xi32>,
      %sub3A_408 = vector.broadcast %mul3A_32 : i32 to vector<16xi32>
      %sub3A_409 = arith.subi %get3A_407, %sub3A_408 : vector<16xi32>
      %ge3A_410 = arith.constant 0 : i32
      %ge3A_411 = vector.broadcast %ge3A_410 : i32 to vector<16xi32>
      %ge3A_412 = arith.cmpi sge, %sub3A_409, %ge3A_411 : vector<16xi32>
      %lt3A_413 = arith.constant 128 : i32
      %lt3A_414 = vector.broadcast %lt3A_413 : i32 to vector<16xi32>
      %lt3A_415 = arith.cmpi slt, %sub3A_409, %lt3A_414 : vector<16xi32>
      %and3A_416 = arith.andi %ge3A_412, %lt3A_415 : vector<16xi1>
      %jit3A_417 = arith.constant 0 : i32
      %jit3A_418 = arith.constant 127 : i32
      %max3A_419 = vector.broadcast %jit3A_417 : i32 to vector<16xi32>
      %max3A_420 = arith.maxsi %max3A_419, %sub3A_409 : vector<16xi32>
      %min3A_421 = vector.broadcast %jit3A_418 : i32 to vector<16xi32>
      %min3A_422 = arith.minsi %min3A_421, %max3A_420 : vector<16xi32>
      %iota3A_423 = tpu.iota {dimensions = array<i32: 0>} : vector<16xi32>
      %add3A_424 = arith.constant 0 : i32
      %add3A_425 = vector.broadcast %add3A_424 : i32 to vector<16xi32>
      %add3A_426 = arith.addi %iota3A_423, %add3A_425 : vector<16xi32>
      tpu.vector_store_idx %arg6[%min3A_422, %add3A_426], %broadcast_in_dim3A_33 masked %and3A_416 : memref<128x128xf32, #tpu.memory_space<vmem>>[vector<16xi32>, vector<16xi32>], vector<16xf32>, vector<16xi1>
      %mul3A_427 = arith.constant 128 : i32
      %mul3A_428 = arith.muli %add3A_398, %mul3A_427 : i32
      %add3A_429 = arith.constant 16 : i32
      %add3A_430 = arith.addi %mul3A_428, %add3A_429 : i32
      %get3A_431 = arith.index_cast %add3A_430 : i32 to index
      %get3A_432 = tpu.vector_load %arg5[%get3A_431] {strides = array<i32>} : memref<15744xi32, #tpu.memory_space<vmem>>, vector<16xi32>,
      %sub3A_433 = vector.broadcast %mul3A_32 : i32 to vector<16xi32>
      %sub3A_434 = arith.subi %get3A_432, %sub3A_433 : vector<16xi32>
      %ge3A_435 = arith.constant 0 : i32
      %ge3A_436 = vector.broadcast %ge3A_435 : i32 to vector<16xi32>
      %ge3A_437 = arith.cmpi sge, %sub3A_434, %ge3A_436 : vector<16xi32>
      %lt3A_438 = arith.constant 128 : i32
      %lt3A_439 = vector.broadcast %lt3A_438 : i32 to vector<16xi32>
      %lt3A_440 = arith.cmpi slt, %sub3A_434, %lt3A_439 : vector<16xi32>
      %and3A_441 = arith.andi %ge3A_437, %lt3A_440 : vector<16xi1>
      %jit3A_442 = arith.constant 0 : i32
      %jit3A_443 = arith.constant 127 : i32
      %max3A_444 = vector.broadcast %jit3A_442 : i32 to vector<16xi32>
      %max3A_445 = arith.maxsi %max3A_444, %sub3A_434 : vector<16xi32>
      %min3A_446 = vector.broadcast %jit3A_443 : i32 to vector<16xi32>
      %min3A_447 = arith.minsi %min3A_446, %max3A_445 : vector<16xi32>
      %iota3A_448 = tpu.iota {dimensions = array<i32: 0>} : vector<16xi32>
      %add3A_449 = arith.constant 16 : i32
      %add3A_450 = vector.broadcast %add3A_449 : i32 to vector<16xi32>
      %add3A_451 = arith.addi %iota3A_448, %add3A_450 : vector<16xi32>
      tpu.vector_store_idx %arg6[%min3A_447, %add3A_451], %broadcast_in_dim3A_33 masked %and3A_441 : memref<128x128xf32, #tpu.memory_space<vmem>>[vector<16xi32>, vector<16xi32>], vector<16xf32>, vector<16xi1>
      %mul3A_452 = arith.constant 128 : i32
      %mul3A_453 = arith.muli %add3A_398, %mul3A_452 : i32
      %add3A_454 = arith.constant 32 : i32
      %add3A_455 = arith.addi %mul3A_453, %add3A_454 : i32
      %get3A_456 = arith.index_cast %add3A_455 : i32 to index
      %get3A_457 = tpu.vector_load %arg5[%get3A_456] {strides = array<i32>} : memref<15744xi32, #tpu.memory_space<vmem>>, vector<16xi32>,
      %sub3A_458 = vector.broadcast %mul3A_32 : i32 to vector<16xi32>
      %sub3A_459 = arith.subi %get3A_457, %sub3A_458 : vector<16xi32>
      %ge3A_460 = arith.constant 0 : i32
      %ge3A_461 = vector.broadcast %ge3A_460 : i32 to vector<16xi32>
      %ge3A_462 = arith.cmpi sge, %sub3A_459, %ge3A_461 : vector<16xi32>
      %lt3A_463 = arith.constant 128 : i32
      %lt3A_464 = vector.broadcast %lt3A_463 : i32 to vector<16xi32>
      %lt3A_465 = arith.cmpi slt, %sub3A_459, %lt3A_464 : vector<16xi32>
      %and3A_466 = arith.andi %ge3A_462, %lt3A_465 : vector<16xi1>
      %jit3A_467 = arith.constant 0 : i32
      %jit3A_468 = arith.constant 127 : i32
      %max3A_469 = vector.broadcast %jit3A_467 : i32 to vector<16xi32>
      %max3A_470 = arith.maxsi %max3A_469, %sub3A_459 : vector<16xi32>
      %min3A_471 = vector.broadcast %jit3A_468 : i32 to vector<16xi32>
      %min3A_472 = arith.minsi %min3A_471, %max3A_470 : vector<16xi32>
      %iota3A_473 = tpu.iota {dimensions = array<i32: 0>} : vector<16xi32>
      %add3A_474 = arith.constant 32 : i32
      %add3A_475 = vector.broadcast %add3A_474 : i32 to vector<16xi32>
      %add3A_476 = arith.addi %iota3A_473, %add3A_475 : vector<16xi32>
      tpu.vector_store_idx %arg6[%min3A_472, %add3A_476], %broadcast_in_dim3A_33 masked %and3A_466 : memref<128x128xf32, #tpu.memory_space<vmem>>[vector<16xi32>, vector<16xi32>], vector<16xf32>, vector<16xi1>
      %mul3A_477 = arith.constant 128 : i32
      %mul3A_478 = arith.muli %add3A_398, %mul3A_477 : i32
      %add3A_479 = arith.constant 48 : i32
      %add3A_480 = arith.addi %mul3A_478, %add3A_479 : i32
      %get3A_481 = arith.index_cast %add3A_480 : i32 to index
      %get3A_482 = tpu.vector_load %arg5[%get3A_481] {strides = array<i32>} : memref<15744xi32, #tpu.memory_space<vmem>>, vector<16xi32>,
      %sub3A_483 = vector.broadcast %mul3A_32 : i32 to vector<16xi32>
      %sub3A_484 = arith.subi %get3A_482, %sub3A_483 : vector<16xi32>
      %ge3A_485 = arith.constant 0 : i32
      %ge3A_486 = vector.broadcast %ge3A_485 : i32 to vector<16xi32>
      %ge3A_487 = arith.cmpi sge, %sub3A_484, %ge3A_486 : vector<16xi32>
      %lt3A_488 = arith.constant 128 : i32
      %lt3A_489 = vector.broadcast %lt3A_488 : i32 to vector<16xi32>
      %lt3A_490 = arith.cmpi slt, %sub3A_484, %lt3A_489 : vector<16xi32>
      %and3A_491 = arith.andi %ge3A_487, %lt3A_490 : vector<16xi1>
      %jit3A_492 = arith.constant 0 : i32
      %jit3A_493 = arith.constant 127 : i32
      %max3A_494 = vector.broadcast %jit3A_492 : i32 to vector<16xi32>
      %max3A_495 = arith.maxsi %max3A_494, %sub3A_484 : vector<16xi32>
      %min3A_496 = vector.broadcast %jit3A_493 : i32 to vector<16xi32>
      %min3A_497 = arith.minsi %min3A_496, %max3A_495 : vector<16xi32>
      %iota3A_498 = tpu.iota {dimensions = array<i32: 0>} : vector<16xi32>
      %add3A_499 = arith.constant 48 : i32
      %add3A_500 = vector.broadcast %add3A_499 : i32 to vector<16xi32>
      %add3A_501 = arith.addi %iota3A_498, %add3A_500 : vector<16xi32>
      tpu.vector_store_idx %arg6[%min3A_497, %add3A_501], %broadcast_in_dim3A_33 masked %and3A_491 : memref<128x128xf32, #tpu.memory_space<vmem>>[vector<16xi32>, vector<16xi32>], vector<16xf32>, vector<16xi1>
      %mul3A_502 = arith.constant 128 : i32
      %mul3A_503 = arith.muli %add3A_398, %mul3A_502 : i32
      %add3A_504 = arith.constant 64 : i32
      %add3A_505 = arith.addi %mul3A_503, %add3A_504 : i32
      %get3A_506 = arith.index_cast %add3A_505 : i32 to index
      %get3A_507 = tpu.vector_load %arg5[%get3A_506] {strides = array<i32>} : memref<15744xi32, #tpu.memory_space<vmem>>, vector<16xi32>,
      %sub3A_508 = vector.broadcast %mul3A_32 : i32 to vector<16xi32>
      %sub3A_509 = arith.subi %get3A_507, %sub3A_508 : vector<16xi32>
      %ge3A_510 = arith.constant 0 : i32
      %ge3A_511 = vector.broadcast %ge3A_510 : i32 to vector<16xi32>
      %ge3A_512 = arith.cmpi sge, %sub3A_509, %ge3A_511 : vector<16xi32>
      %lt3A_513 = arith.constant 128 : i32
      %lt3A_514 = vector.broadcast %lt3A_513 : i32 to vector<16xi32>
      %lt3A_515 = arith.cmpi slt, %sub3A_509, %lt3A_514 : vector<16xi32>
      %and3A_516 = arith.andi %ge3A_512, %lt3A_515 : vector<16xi1>
      %jit3A_517 = arith.constant 0 : i32
      %jit3A_518 = arith.constant 127 : i32
      %max3A_519 = vector.broadcast %jit3A_517 : i32 to vector<16xi32>
      %max3A_520 = arith.maxsi %max3A_519, %sub3A_509 : vector<16xi32>
      %min3A_521 = vector.broadcast %jit3A_518 : i32 to vector<16xi32>
      %min3A_522 = arith.minsi %min3A_521, %max3A_520 : vector<16xi32>
      %iota3A_523 = tpu.iota {dimensions = array<i32: 0>} : vector<16xi32>
      %add3A_524 = arith.constant 64 : i32
      %add3A_525 = vector.broadcast %add3A_524 : i32 to vector<16xi32>
      %add3A_526 = arith.addi %iota3A_523, %add3A_525 : vector<16xi32>
      tpu.vector_store_idx %arg6[%min3A_522, %add3A_526], %broadcast_in_dim3A_33 masked %and3A_516 : memref<128x128xf32, #tpu.memory_space<vmem>>[vector<16xi32>, vector<16xi32>], vector<16xf32>, vector<16xi1>
      %mul3A_527 = arith.constant 128 : i32
      %mul3A_528 = arith.muli %add3A_398, %mul3A_527 : i32
      %add3A_529 = arith.constant 80 : i32
      %add3A_530 = arith.addi %mul3A_528, %add3A_529 : i32
      %get3A_531 = arith.index_cast %add3A_530 : i32 to index
      %get3A_532 = tpu.vector_load %arg5[%get3A_531] {strides = array<i32>} : memref<15744xi32, #tpu.memory_space<vmem>>, vector<16xi32>,
      %sub3A_533 = vector.broadcast %mul3A_32 : i32 to vector<16xi32>
      %sub3A_534 = arith.subi %get3A_532, %sub3A_533 : vector<16xi32>
      %ge3A_535 = arith.constant 0 : i32
      %ge3A_536 = vector.broadcast %ge3A_535 : i32 to vector<16xi32>
      %ge3A_537 = arith.cmpi sge, %sub3A_534, %ge3A_536 : vector<16xi32>
      %lt3A_538 = arith.constant 128 : i32
      %lt3A_539 = vector.broadcast %lt3A_538 : i32 to vector<16xi32>
      %lt3A_540 = arith.cmpi slt, %sub3A_534, %lt3A_539 : vector<16xi32>
      %and3A_541 = arith.andi %ge3A_537, %lt3A_540 : vector<16xi1>
      %jit3A_542 = arith.constant 0 : i32
      %jit3A_543 = arith.constant 127 : i32
      %max3A_544 = vector.broadcast %jit3A_542 : i32 to vector<16xi32>
      %max3A_545 = arith.maxsi %max3A_544, %sub3A_534 : vector<16xi32>
      %min3A_546 = vector.broadcast %jit3A_543 : i32 to vector<16xi32>
      %min3A_547 = arith.minsi %min3A_546, %max3A_545 : vector<16xi32>
      %iota3A_548 = tpu.iota {dimensions = array<i32: 0>} : vector<16xi32>
      %add3A_549 = arith.constant 80 : i32
      %add3A_550 = vector.broadcast %add3A_549 : i32 to vector<16xi32>
      %add3A_551 = arith.addi %iota3A_548, %add3A_550 : vector<16xi32>
      tpu.vector_store_idx %arg6[%min3A_547, %add3A_551], %broadcast_in_dim3A_33 masked %and3A_541 : memref<128x128xf32, #tpu.memory_space<vmem>>[vector<16xi32>, vector<16xi32>], vector<16xf32>, vector<16xi1>
      %mul3A_552 = arith.constant 128 : i32
      %mul3A_553 = arith.muli %add3A_398, %mul3A_552 : i32
      %add3A_554 = arith.constant 96 : i32
      %add3A_555 = arith.addi %mul3A_553, %add3A_554 : i32
      %get3A_556 = arith.index_cast %add3A_555 : i32 to index
      %get3A_557 = tpu.vector_load %arg5[%get3A_556] {strides = array<i32>} : memref<15744xi32, #tpu.memory_space<vmem>>, vector<16xi32>,
      %sub3A_558 = vector.broadcast %mul3A_32 : i32 to vector<16xi32>
      %sub3A_559 = arith.subi %get3A_557, %sub3A_558 : vector<16xi32>
      %ge3A_560 = arith.constant 0 : i32
      %ge3A_561 = vector.broadcast %ge3A_560 : i32 to vector<16xi32>
      %ge3A_562 = arith.cmpi sge, %sub3A_559, %ge3A_561 : vector<16xi32>
      %lt3A_563 = arith.constant 128 : i32
      %lt3A_564 = vector.broadcast %lt3A_563 : i32 to vector<16xi32>
      %lt3A_565 = arith.cmpi slt, %sub3A_559, %lt3A_564 : vector<16xi32>
      %and3A_566 = arith.andi %ge3A_562, %lt3A_565 : vector<16xi1>
      %jit3A_567 = arith.constant 0 : i32
      %jit3A_568 = arith.constant 127 : i32
      %max3A_569 = vector.broadcast %jit3A_567 : i32 to vector<16xi32>
      %max3A_570 = arith.maxsi %max3A_569, %sub3A_559 : vector<16xi32>
      %min3A_571 = vector.broadcast %jit3A_568 : i32 to vector<16xi32>
      %min3A_572 = arith.minsi %min3A_571, %max3A_570 : vector<16xi32>
      %iota3A_573 = tpu.iota {dimensions = array<i32: 0>} : vector<16xi32>
      %add3A_574 = arith.constant 96 : i32
      %add3A_575 = vector.broadcast %add3A_574 : i32 to vector<16xi32>
      %add3A_576 = arith.addi %iota3A_573, %add3A_575 : vector<16xi32>
      tpu.vector_store_idx %arg6[%min3A_572, %add3A_576], %broadcast_in_dim3A_33 masked %and3A_566 : memref<128x128xf32, #tpu.memory_space<vmem>>[vector<16xi32>, vector<16xi32>], vector<16xf32>, vector<16xi1>
      %mul3A_577 = arith.constant 128 : i32
      %mul3A_578 = arith.muli %add3A_398, %mul3A_577 : i32
      %add3A_579 = arith.constant 112 : i32
      %add3A_580 = arith.addi %mul3A_578, %add3A_579 : i32
      %get3A_581 = arith.index_cast %add3A_580 : i32 to index
      %get3A_582 = tpu.vector_load %arg5[%get3A_581] {strides = array<i32>} : memref<15744xi32, #tpu.memory_space<vmem>>, vector<16xi32>,
      %sub3A_583 = vector.broadcast %mul3A_32 : i32 to vector<16xi32>
      %sub3A_584 = arith.subi %get3A_582, %sub3A_583 : vector<16xi32>
      %ge3A_585 = arith.constant 0 : i32
      %ge3A_586 = vector.broadcast %ge3A_585 : i32 to vector<16xi32>
      %ge3A_587 = arith.cmpi sge, %sub3A_584, %ge3A_586 : vector<16xi32>
      %lt3A_588 = arith.constant 128 : i32
      %lt3A_589 = vector.broadcast %lt3A_588 : i32 to vector<16xi32>
      %lt3A_590 = arith.cmpi slt, %sub3A_584, %lt3A_589 : vector<16xi32>
      %and3A_591 = arith.andi %ge3A_587, %lt3A_590 : vector<16xi1>
      %jit3A_592 = arith.constant 0 : i32
      %jit3A_593 = arith.constant 127 : i32
      %max3A_594 = vector.broadcast %jit3A_592 : i32 to vector<16xi32>
      %max3A_595 = arith.maxsi %max3A_594, %sub3A_584 : vector<16xi32>
      %min3A_596 = vector.broadcast %jit3A_593 : i32 to vector<16xi32>
      %min3A_597 = arith.minsi %min3A_596, %max3A_595 : vector<16xi32>
      %iota3A_598 = tpu.iota {dimensions = array<i32: 0>} : vector<16xi32>
      %add3A_599 = arith.constant 112 : i32
      %add3A_600 = vector.broadcast %add3A_599 : i32 to vector<16xi32>
      %add3A_601 = arith.addi %iota3A_598, %add3A_600 : vector<16xi32>
      tpu.vector_store_idx %arg6[%min3A_597, %add3A_601], %broadcast_in_dim3A_33 masked %and3A_591 : memref<128x128xf32, #tpu.memory_space<vmem>>[vector<16xi32>, vector<16xi32>], vector<16xf32>, vector<16xi1>
      %mul3A_602 = arith.constant 128 : i32
      %mul3A_603 = arith.muli %add3A_398, %mul3A_602 : i32
      %dma_start3A_604 = tpu.memref_slice %arg4[%select_n3A, %mul3A_32, %mul3A_603] : memref<16x256x15744xf32, #tpu.memory_space<hbm>> -> memref<1x128x128xf32, #tpu.memory_space<hbm>>
      %dma_start3A_605 = tpu.memref_squeeze %dma_start3A_604 : memref<1x128x128xf32, #tpu.memory_space<hbm>> -> memref<128x128xf32, #tpu.memory_space<hbm>>
      %dma_start3A_606 = tpu.memref_slice %arg4[%select_n3A, %mul3A_32, %mul3A_603] : memref<16x256x15744xf32, #tpu.memory_space<hbm>> -> memref<1x128x128xf32, #tpu.memory_space<hbm>>
      %dma_start3A_607 = tpu.memref_squeeze %dma_start3A_606 : memref<1x128x128xf32, #tpu.memory_space<hbm>> -> memref<128x128xf32, #tpu.memory_space<hbm>>
      tpu.enqueue_dma source(%arg6 : memref<128x128xf32, #tpu.memory_space<vmem>>) target(%dma_start3A_607 : memref<128x128xf32, #tpu.memory_space<hbm>>) target_semaphore(%arg8 : memref<!tpu.dma_semaphore, #tpu.memory_space<semaphore_mem>>)
      %mul3A_608 = arith.constant 2 : i32
      %mul3A_609 = arith.muli %mul3A_608, %scan3A_394 : i32
      %add3A_610 = arith.constant 1 : i32
      %add3A_611 = arith.addi %mul3A_609, %add3A_610 : i32
      %ge3A_612 = arith.constant 2 : i32
      %ge3A_613 = arith.cmpi sge, %add3A_611, %ge3A_612 : i32
      %convert_element_type3A_614 = arith.extui %ge3A_613 : i1 to i32
      %cond3A_615 = arith.constant 0 : i32
      %cond3A_616 = arith.cmpi ne, %convert_element_type3A_614, %cond3A_615 : i32
      scf.if %cond3A_616 {
        %sub3A_823 = arith.constant 2 : i32
        %sub3A_824 = arith.subi %add3A_611, %sub3A_823 : i32
        %mul3A_825 = arith.constant 128 : i32
        %mul3A_826 = arith.muli %sub3A_824, %mul3A_825 : i32
        %dma_wait3A_827 = tpu.memref_slice %arg4[%select_n3A, %mul3A_32, %mul3A_826] : memref<16x256x15744xf32, #tpu.memory_space<hbm>> -> memref<1x128x128xf32, #tpu.memory_space<hbm>>
        %dma_wait3A_828 = tpu.memref_squeeze %dma_wait3A_827 : memref<1x128x128xf32, #tpu.memory_space<hbm>> -> memref<128x128xf32, #tpu.memory_space<hbm>>
        %dma_wait3A_829 = tpu.memref_slice %arg4[%select_n3A, %mul3A_32, %mul3A_826] : memref<16x256x15744xf32, #tpu.memory_space<hbm>> -> memref<1x128x128xf32, #tpu.memory_space<hbm>>
        %dma_wait3A_830 = tpu.memref_squeeze %dma_wait3A_829 : memref<1x128x128xf32, #tpu.memory_space<hbm>> -> memref<128x128xf32, #tpu.memory_space<hbm>>
        tpu.wait_dma2 semaphore(%arg9 : memref<!tpu.dma_semaphore, #tpu.memory_space<semaphore_mem>>) src(%arg7 : memref<128x128xf32, #tpu.memory_space<vmem>>) dst(%dma_wait3A_830 : memref<128x128xf32, #tpu.memory_space<hbm>>)
        %sub3A_831 = arith.constant 2 : i32
        %sub3A_832 = arith.subi %add3A_611, %sub3A_831 : i32
        %mul3A_833 = arith.constant 128 : i32
        %mul3A_834 = arith.muli %sub3A_832, %mul3A_833 : i32
        %add3A_835 = arith.constant 0 : i32
        %add3A_836 = arith.addi %mul3A_834, %add3A_835 : i32
        %get3A_837 = arith.index_cast %add3A_836 : i32 to index
        %get3A_838 = tpu.vector_load %arg5[%get3A_837] {strides = array<i32>} : memref<15744xi32, #tpu.memory_space<vmem>>, vector<16xi32>,
        %sub3A_839 = vector.broadcast %mul3A_32 : i32 to vector<16xi32>
        %sub3A_840 = arith.subi %get3A_838, %sub3A_839 : vector<16xi32>
        %ge3A_841 = arith.constant 0 : i32
        %ge3A_842 = vector.broadcast %ge3A_841 : i32 to vector<16xi32>
        %ge3A_843 = arith.cmpi sge, %sub3A_840, %ge3A_842 : vector<16xi32>
        %lt3A_844 = arith.constant 128 : i32
        %lt3A_845 = vector.broadcast %lt3A_844 : i32 to vector<16xi32>
        %lt3A_846 = arith.cmpi slt, %sub3A_840, %lt3A_845 : vector<16xi32>
        %and3A_847 = arith.andi %ge3A_843, %lt3A_846 : vector<16xi1>
        %jit3A_848 = arith.constant 0 : i32
        %jit3A_849 = arith.constant 127 : i32
        %max3A_850 = vector.broadcast %jit3A_848 : i32 to vector<16xi32>
        %max3A_851 = arith.maxsi %max3A_850, %sub3A_840 : vector<16xi32>
        %min3A_852 = vector.broadcast %jit3A_849 : i32 to vector<16xi32>
        %min3A_853 = arith.minsi %min3A_852, %max3A_851 : vector<16xi32>
        %iota3A_854 = tpu.iota {dimensions = array<i32: 0>} : vector<16xi32>
        %add3A_855 = arith.constant 0 : i32
        %add3A_856 = vector.broadcast %add3A_855 : i32 to vector<16xi32>
        %add3A_857 = arith.addi %iota3A_854, %add3A_856 : vector<16xi32>
        tpu.vector_store_idx %arg7[%min3A_853, %add3A_857], %broadcast_in_dim3A_35 masked %and3A_847 : memref<128x128xf32, #tpu.memory_space<vmem>>[vector<16xi32>, vector<16xi32>], vector<16xf32>, vector<16xi1>
        %mul3A_858 = arith.constant 128 : i32
        %mul3A_859 = arith.muli %sub3A_832, %mul3A_858 : i32
        %add3A_860 = arith.constant 16 : i32
        %add3A_861 = arith.addi %mul3A_859, %add3A_860 : i32
        %get3A_862 = arith.index_cast %add3A_861 : i32 to index
        %get3A_863 = tpu.vector_load %arg5[%get3A_862] {strides = array<i32>} : memref<15744xi32, #tpu.memory_space<vmem>>, vector<16xi32>,
        %sub3A_864 = vector.broadcast %mul3A_32 : i32 to vector<16xi32>
        %sub3A_865 = arith.subi %get3A_863, %sub3A_864 : vector<16xi32>
        %ge3A_866 = arith.constant 0 : i32
        %ge3A_867 = vector.broadcast %ge3A_866 : i32 to vector<16xi32>
        %ge3A_868 = arith.cmpi sge, %sub3A_865, %ge3A_867 : vector<16xi32>
        %lt3A_869 = arith.constant 128 : i32
        %lt3A_870 = vector.broadcast %lt3A_869 : i32 to vector<16xi32>
        %lt3A_871 = arith.cmpi slt, %sub3A_865, %lt3A_870 : vector<16xi32>
        %and3A_872 = arith.andi %ge3A_868, %lt3A_871 : vector<16xi1>
        %jit3A_873 = arith.constant 0 : i32
        %jit3A_874 = arith.constant 127 : i32
        %max3A_875 = vector.broadcast %jit3A_873 : i32 to vector<16xi32>
        %max3A_876 = arith.maxsi %max3A_875, %sub3A_865 : vector<16xi32>
        %min3A_877 = vector.broadcast %jit3A_874 : i32 to vector<16xi32>
        %min3A_878 = arith.minsi %min3A_877, %max3A_876 : vector<16xi32>
        %iota3A_879 = tpu.iota {dimensions = array<i32: 0>} : vector<16xi32>
        %add3A_880 = arith.constant 16 : i32
        %add3A_881 = vector.broadcast %add3A_880 : i32 to vector<16xi32>
        %add3A_882 = arith.addi %iota3A_879, %add3A_881 : vector<16xi32>
        tpu.vector_store_idx %arg7[%min3A_878, %add3A_882], %broadcast_in_dim3A_35 masked %and3A_872 : memref<128x128xf32, #tpu.memory_space<vmem>>[vector<16xi32>, vector<16xi32>], vector<16xf32>, vector<16xi1>
        %mul3A_883 = arith.constant 128 : i32
        %mul3A_884 = arith.muli %sub3A_832, %mul3A_883 : i32
        %add3A_885 = arith.constant 32 : i32
        %add3A_886 = arith.addi %mul3A_884, %add3A_885 : i32
        %get3A_887 = arith.index_cast %add3A_886 : i32 to index
        %get3A_888 = tpu.vector_load %arg5[%get3A_887] {strides = array<i32>} : memref<15744xi32, #tpu.memory_space<vmem>>, vector<16xi32>,
        %sub3A_889 = vector.broadcast %mul3A_32 : i32 to vector<16xi32>
        %sub3A_890 = arith.subi %get3A_888, %sub3A_889 : vector<16xi32>
        %ge3A_891 = arith.constant 0 : i32
        %ge3A_892 = vector.broadcast %ge3A_891 : i32 to vector<16xi32>
        %ge3A_893 = arith.cmpi sge, %sub3A_890, %ge3A_892 : vector<16xi32>
        %lt3A_894 = arith.constant 128 : i32
        %lt3A_895 = vector.broadcast %lt3A_894 : i32 to vector<16xi32>
        %lt3A_896 = arith.cmpi slt, %sub3A_890, %lt3A_895 : vector<16xi32>
        %and3A_897 = arith.andi %ge3A_893, %lt3A_896 : vector<16xi1>
        %jit3A_898 = arith.constant 0 : i32
        %jit3A_899 = arith.constant 127 : i32
        %max3A_900 = vector.broadcast %jit3A_898 : i32 to vector<16xi32>
        %max3A_901 = arith.maxsi %max3A_900, %sub3A_890 : vector<16xi32>
        %min3A_902 = vector.broadcast %jit3A_899 : i32 to vector<16xi32>
        %min3A_903 = arith.minsi %min3A_902, %max3A_901 : vector<16xi32>
        %iota3A_904 = tpu.iota {dimensions = array<i32: 0>} : vector<16xi32>
        %add3A_905 = arith.constant 32 : i32
        %add3A_906 = vector.broadcast %add3A_905 : i32 to vector<16xi32>
        %add3A_907 = arith.addi %iota3A_904, %add3A_906 : vector<16xi32>
        tpu.vector_store_idx %arg7[%min3A_903, %add3A_907], %broadcast_in_dim3A_35 masked %and3A_897 : memref<128x128xf32, #tpu.memory_space<vmem>>[vector<16xi32>, vector<16xi32>], vector<16xf32>, vector<16xi1>
        %mul3A_908 = arith.constant 128 : i32
        %mul3A_909 = arith.muli %sub3A_832, %mul3A_908 : i32
        %add3A_910 = arith.constant 48 : i32
        %add3A_911 = arith.addi %mul3A_909, %add3A_910 : i32
        %get3A_912 = arith.index_cast %add3A_911 : i32 to index
        %get3A_913 = tpu.vector_load %arg5[%get3A_912] {strides = array<i32>} : memref<15744xi32, #tpu.memory_space<vmem>>, vector<16xi32>,
        %sub3A_914 = vector.broadcast %mul3A_32 : i32 to vector<16xi32>
        %sub3A_915 = arith.subi %get3A_913, %sub3A_914 : vector<16xi32>
        %ge3A_916 = arith.constant 0 : i32
        %ge3A_917 = vector.broadcast %ge3A_916 : i32 to vector<16xi32>
        %ge3A_918 = arith.cmpi sge, %sub3A_915, %ge3A_917 : vector<16xi32>
        %lt3A_919 = arith.constant 128 : i32
        %lt3A_920 = vector.broadcast %lt3A_919 : i32 to vector<16xi32>
        %lt3A_921 = arith.cmpi slt, %sub3A_915, %lt3A_920 : vector<16xi32>
        %and3A_922 = arith.andi %ge3A_918, %lt3A_921 : vector<16xi1>
        %jit3A_923 = arith.constant 0 : i32
        %jit3A_924 = arith.constant 127 : i32
        %max3A_925 = vector.broadcast %jit3A_923 : i32 to vector<16xi32>
        %max3A_926 = arith.maxsi %max3A_925, %sub3A_915 : vector<16xi32>
        %min3A_927 = vector.broadcast %jit3A_924 : i32 to vector<16xi32>
        %min3A_928 = arith.minsi %min3A_927, %max3A_926 : vector<16xi32>
        %iota3A_929 = tpu.iota {dimensions = array<i32: 0>} : vector<16xi32>
        %add3A_930 = arith.constant 48 : i32
        %add3A_931 = vector.broadcast %add3A_930 : i32 to vector<16xi32>
        %add3A_932 = arith.addi %iota3A_929, %add3A_931 : vector<16xi32>
        tpu.vector_store_idx %arg7[%min3A_928, %add3A_932], %broadcast_in_dim3A_35 masked %and3A_922 : memref<128x128xf32, #tpu.memory_space<vmem>>[vector<16xi32>, vector<16xi32>], vector<16xf32>, vector<16xi1>
        %mul3A_933 = arith.constant 128 : i32
        %mul3A_934 = arith.muli %sub3A_832, %mul3A_933 : i32
        %add3A_935 = arith.constant 64 : i32
        %add3A_936 = arith.addi %mul3A_934, %add3A_935 : i32
        %get3A_937 = arith.index_cast %add3A_936 : i32 to index
        %get3A_938 = tpu.vector_load %arg5[%get3A_937] {strides = array<i32>} : memref<15744xi32, #tpu.memory_space<vmem>>, vector<16xi32>,
        %sub3A_939 = vector.broadcast %mul3A_32 : i32 to vector<16xi32>
        %sub3A_940 = arith.subi %get3A_938, %sub3A_939 : vector<16xi32>
        %ge3A_941 = arith.constant 0 : i32
        %ge3A_942 = vector.broadcast %ge3A_941 : i32 to vector<16xi32>
        %ge3A_943 = arith.cmpi sge, %sub3A_940, %ge3A_942 : vector<16xi32>
        %lt3A_944 = arith.constant 128 : i32
        %lt3A_945 = vector.broadcast %lt3A_944 : i32 to vector<16xi32>
        %lt3A_946 = arith.cmpi slt, %sub3A_940, %lt3A_945 : vector<16xi32>
        %and3A_947 = arith.andi %ge3A_943, %lt3A_946 : vector<16xi1>
        %jit3A_948 = arith.constant 0 : i32
        %jit3A_949 = arith.constant 127 : i32
        %max3A_950 = vector.broadcast %jit3A_948 : i32 to vector<16xi32>
        %max3A_951 = arith.maxsi %max3A_950, %sub3A_940 : vector<16xi32>
        %min3A_952 = vector.broadcast %jit3A_949 : i32 to vector<16xi32>
        %min3A_953 = arith.minsi %min3A_952, %max3A_951 : vector<16xi32>
        %iota3A_954 = tpu.iota {dimensions = array<i32: 0>} : vector<16xi32>
        %add3A_955 = arith.constant 64 : i32
        %add3A_956 = vector.broadcast %add3A_955 : i32 to vector<16xi32>
        %add3A_957 = arith.addi %iota3A_954, %add3A_956 : vector<16xi32>
        tpu.vector_store_idx %arg7[%min3A_953, %add3A_957], %broadcast_in_dim3A_35 masked %and3A_947 : memref<128x128xf32, #tpu.memory_space<vmem>>[vector<16xi32>, vector<16xi32>], vector<16xf32>, vector<16xi1>
        %mul3A_958 = arith.constant 128 : i32
        %mul3A_959 = arith.muli %sub3A_832, %mul3A_958 : i32
        %add3A_960 = arith.constant 80 : i32
        %add3A_961 = arith.addi %mul3A_959, %add3A_960 : i32
        %get3A_962 = arith.index_cast %add3A_961 : i32 to index
        %get3A_963 = tpu.vector_load %arg5[%get3A_962] {strides = array<i32>} : memref<15744xi32, #tpu.memory_space<vmem>>, vector<16xi32>,
        %sub3A_964 = vector.broadcast %mul3A_32 : i32 to vector<16xi32>
        %sub3A_965 = arith.subi %get3A_963, %sub3A_964 : vector<16xi32>
        %ge3A_966 = arith.constant 0 : i32
        %ge3A_967 = vector.broadcast %ge3A_966 : i32 to vector<16xi32>
        %ge3A_968 = arith.cmpi sge, %sub3A_965, %ge3A_967 : vector<16xi32>
        %lt3A_969 = arith.constant 128 : i32
        %lt3A_970 = vector.broadcast %lt3A_969 : i32 to vector<16xi32>
        %lt3A_971 = arith.cmpi slt, %sub3A_965, %lt3A_970 : vector<16xi32>
        %and3A_972 = arith.andi %ge3A_968, %lt3A_971 : vector<16xi1>
        %jit3A_973 = arith.constant 0 : i32
        %jit3A_974 = arith.constant 127 : i32
        %max3A_975 = vector.broadcast %jit3A_973 : i32 to vector<16xi32>
        %max3A_976 = arith.maxsi %max3A_975, %sub3A_965 : vector<16xi32>
        %min3A_977 = vector.broadcast %jit3A_974 : i32 to vector<16xi32>
        %min3A_978 = arith.minsi %min3A_977, %max3A_976 : vector<16xi32>
        %iota3A_979 = tpu.iota {dimensions = array<i32: 0>} : vector<16xi32>
        %add3A_980 = arith.constant 80 : i32
        %add3A_981 = vector.broadcast %add3A_980 : i32 to vector<16xi32>
        %add3A_982 = arith.addi %iota3A_979, %add3A_981 : vector<16xi32>
        tpu.vector_store_idx %arg7[%min3A_978, %add3A_982], %broadcast_in_dim3A_35 masked %and3A_972 : memref<128x128xf32, #tpu.memory_space<vmem>>[vector<16xi32>, vector<16xi32>], vector<16xf32>, vector<16xi1>
        %mul3A_983 = arith.constant 128 : i32
        %mul3A_984 = arith.muli %sub3A_832, %mul3A_983 : i32
        %add3A_985 = arith.constant 96 : i32
        %add3A_986 = arith.addi %mul3A_984, %add3A_985 : i32
        %get3A_987 = arith.index_cast %add3A_986 : i32 to index
        %get3A_988 = tpu.vector_load %arg5[%get3A_987] {strides = array<i32>} : memref<15744xi32, #tpu.memory_space<vmem>>, vector<16xi32>,
        %sub3A_989 = vector.broadcast %mul3A_32 : i32 to vector<16xi32>
        %sub3A_990 = arith.subi %get3A_988, %sub3A_989 : vector<16xi32>
        %ge3A_991 = arith.constant 0 : i32
        %ge3A_992 = vector.broadcast %ge3A_991 : i32 to vector<16xi32>
        %ge3A_993 = arith.cmpi sge, %sub3A_990, %ge3A_992 : vector<16xi32>
        %lt3A_994 = arith.constant 128 : i32
        %lt3A_995 = vector.broadcast %lt3A_994 : i32 to vector<16xi32>
        %lt3A_996 = arith.cmpi slt, %sub3A_990, %lt3A_995 : vector<16xi32>
        %and3A_997 = arith.andi %ge3A_993, %lt3A_996 : vector<16xi1>
        %jit3A_998 = arith.constant 0 : i32
        %jit3A_999 = arith.constant 127 : i32
        %max3A_1000 = vector.broadcast %jit3A_998 : i32 to vector<16xi32>
        %max3A_1001 = arith.maxsi %max3A_1000, %sub3A_990 : vector<16xi32>
        %min3A_1002 = vector.broadcast %jit3A_999 : i32 to vector<16xi32>
        %min3A_1003 = arith.minsi %min3A_1002, %max3A_1001 : vector<16xi32>
        %iota3A_1004 = tpu.iota {dimensions = array<i32: 0>} : vector<16xi32>
        %add3A_1005 = arith.constant 96 : i32
        %add3A_1006 = vector.broadcast %add3A_1005 : i32 to vector<16xi32>
        %add3A_1007 = arith.addi %iota3A_1004, %add3A_1006 : vector<16xi32>
        tpu.vector_store_idx %arg7[%min3A_1003, %add3A_1007], %broadcast_in_dim3A_35 masked %and3A_997 : memref<128x128xf32, #tpu.memory_space<vmem>>[vector<16xi32>, vector<16xi32>], vector<16xf32>, vector<16xi1>
        %mul3A_1008 = arith.constant 128 : i32
        %mul3A_1009 = arith.muli %sub3A_832, %mul3A_1008 : i32
        %add3A_1010 = arith.constant 112 : i32
        %add3A_1011 = arith.addi %mul3A_1009, %add3A_1010 : i32
        %get3A_1012 = arith.index_cast %add3A_1011 : i32 to index
        %get3A_1013 = tpu.vector_load %arg5[%get3A_1012] {strides = array<i32>} : memref<15744xi32, #tpu.memory_space<vmem>>, vector<16xi32>,
        %sub3A_1014 = vector.broadcast %mul3A_32 : i32 to vector<16xi32>
        %sub3A_1015 = arith.subi %get3A_1013, %sub3A_1014 : vector<16xi32>
        %ge3A_1016 = arith.constant 0 : i32
        %ge3A_1017 = vector.broadcast %ge3A_1016 : i32 to vector<16xi32>
        %ge3A_1018 = arith.cmpi sge, %sub3A_1015, %ge3A_1017 : vector<16xi32>
        %lt3A_1019 = arith.constant 128 : i32
        %lt3A_1020 = vector.broadcast %lt3A_1019 : i32 to vector<16xi32>
        %lt3A_1021 = arith.cmpi slt, %sub3A_1015, %lt3A_1020 : vector<16xi32>
        %and3A_1022 = arith.andi %ge3A_1018, %lt3A_1021 : vector<16xi1>
        %jit3A_1023 = arith.constant 0 : i32
        %jit3A_1024 = arith.constant 127 : i32
        %max3A_1025 = vector.broadcast %jit3A_1023 : i32 to vector<16xi32>
        %max3A_1026 = arith.maxsi %max3A_1025, %sub3A_1015 : vector<16xi32>
        %min3A_1027 = vector.broadcast %jit3A_1024 : i32 to vector<16xi32>
        %min3A_1028 = arith.minsi %min3A_1027, %max3A_1026 : vector<16xi32>
        %iota3A_1029 = tpu.iota {dimensions = array<i32: 0>} : vector<16xi32>
        %add3A_1030 = arith.constant 112 : i32
        %add3A_1031 = vector.broadcast %add3A_1030 : i32 to vector<16xi32>
        %add3A_1032 = arith.addi %iota3A_1029, %add3A_1031 : vector<16xi32>
        tpu.vector_store_idx %arg7[%min3A_1028, %add3A_1032], %broadcast_in_dim3A_35 masked %and3A_1022 : memref<128x128xf32, #tpu.memory_space<vmem>>[vector<16xi32>, vector<16xi32>], vector<16xf32>, vector<16xi1>
      } else {
      }
      %mul3A_617 = arith.constant 128 : i32
      %mul3A_618 = arith.muli %add3A_611, %mul3A_617 : i32
      %add3A_619 = arith.constant 0 : i32
      %add3A_620 = arith.addi %mul3A_618, %add3A_619 : i32
      %get3A_621 = arith.index_cast %add3A_620 : i32 to index
      %get3A_622 = tpu.vector_load %arg5[%get3A_621] {strides = array<i32>} : memref<15744xi32, #tpu.memory_space<vmem>>, vector<16xi32>,
      %sub3A_623 = vector.broadcast %mul3A_32 : i32 to vector<16xi32>
      %sub3A_624 = arith.subi %get3A_622, %sub3A_623 : vector<16xi32>
      %ge3A_625 = arith.constant 0 : i32
      %ge3A_626 = vector.broadcast %ge3A_625 : i32 to vector<16xi32>
      %ge3A_627 = arith.cmpi sge, %sub3A_624, %ge3A_626 : vector<16xi32>
      %lt3A_628 = arith.constant 128 : i32
      %lt3A_629 = vector.broadcast %lt3A_628 : i32 to vector<16xi32>
      %lt3A_630 = arith.cmpi slt, %sub3A_624, %lt3A_629 : vector<16xi32>
      %and3A_631 = arith.andi %ge3A_627, %lt3A_630 : vector<16xi1>
      %jit3A_632 = arith.constant 0 : i32
      %jit3A_633 = arith.constant 127 : i32
      %max3A_634 = vector.broadcast %jit3A_632 : i32 to vector<16xi32>
      %max3A_635 = arith.maxsi %max3A_634, %sub3A_624 : vector<16xi32>
      %min3A_636 = vector.broadcast %jit3A_633 : i32 to vector<16xi32>
      %min3A_637 = arith.minsi %min3A_636, %max3A_635 : vector<16xi32>
      %iota3A_638 = tpu.iota {dimensions = array<i32: 0>} : vector<16xi32>
      %add3A_639 = arith.constant 0 : i32
      %add3A_640 = vector.broadcast %add3A_639 : i32 to vector<16xi32>
      %add3A_641 = arith.addi %iota3A_638, %add3A_640 : vector<16xi32>
      tpu.vector_store_idx %arg7[%min3A_637, %add3A_641], %broadcast_in_dim3A_33 masked %and3A_631 : memref<128x128xf32, #tpu.memory_space<vmem>>[vector<16xi32>, vector<16xi32>], vector<16xf32>, vector<16xi1>
      %mul3A_642 = arith.constant 128 : i32
      %mul3A_643 = arith.muli %add3A_611, %mul3A_642 : i32
      %add3A_644 = arith.constant 16 : i32
      %add3A_645 = arith.addi %mul3A_643, %add3A_644 : i32
      %get3A_646 = arith.index_cast %add3A_645 : i32 to index
      %get3A_647 = tpu.vector_load %arg5[%get3A_646] {strides = array<i32>} : memref<15744xi32, #tpu.memory_space<vmem>>, vector<16xi32>,
      %sub3A_648 = vector.broadcast %mul3A_32 : i32 to vector<16xi32>
      %sub3A_649 = arith.subi %get3A_647, %sub3A_648 : vector<16xi32>
      %ge3A_650 = arith.constant 0 : i32
      %ge3A_651 = vector.broadcast %ge3A_650 : i32 to vector<16xi32>
      %ge3A_652 = arith.cmpi sge, %sub3A_649, %ge3A_651 : vector<16xi32>
      %lt3A_653 = arith.constant 128 : i32
      %lt3A_654 = vector.broadcast %lt3A_653 : i32 to vector<16xi32>
      %lt3A_655 = arith.cmpi slt, %sub3A_649, %lt3A_654 : vector<16xi32>
      %and3A_656 = arith.andi %ge3A_652, %lt3A_655 : vector<16xi1>
      %jit3A_657 = arith.constant 0 : i32
      %jit3A_658 = arith.constant 127 : i32
      %max3A_659 = vector.broadcast %jit3A_657 : i32 to vector<16xi32>
      %max3A_660 = arith.maxsi %max3A_659, %sub3A_649 : vector<16xi32>
      %min3A_661 = vector.broadcast %jit3A_658 : i32 to vector<16xi32>
      %min3A_662 = arith.minsi %min3A_661, %max3A_660 : vector<16xi32>
      %iota3A_663 = tpu.iota {dimensions = array<i32: 0>} : vector<16xi32>
      %add3A_664 = arith.constant 16 : i32
      %add3A_665 = vector.broadcast %add3A_664 : i32 to vector<16xi32>
      %add3A_666 = arith.addi %iota3A_663, %add3A_665 : vector<16xi32>
      tpu.vector_store_idx %arg7[%min3A_662, %add3A_666], %broadcast_in_dim3A_33 masked %and3A_656 : memref<128x128xf32, #tpu.memory_space<vmem>>[vector<16xi32>, vector<16xi32>], vector<16xf32>, vector<16xi1>
      %mul3A_667 = arith.constant 128 : i32
      %mul3A_668 = arith.muli %add3A_611, %mul3A_667 : i32
      %add3A_669 = arith.constant 32 : i32
      %add3A_670 = arith.addi %mul3A_668, %add3A_669 : i32
      %get3A_671 = arith.index_cast %add3A_670 : i32 to index
      %get3A_672 = tpu.vector_load %arg5[%get3A_671] {strides = array<i32>} : memref<15744xi32, #tpu.memory_space<vmem>>, vector<16xi32>,
      %sub3A_673 = vector.broadcast %mul3A_32 : i32 to vector<16xi32>
      %sub3A_674 = arith.subi %get3A_672, %sub3A_673 : vector<16xi32>
      %ge3A_675 = arith.constant 0 : i32
      %ge3A_676 = vector.broadcast %ge3A_675 : i32 to vector<16xi32>
      %ge3A_677 = arith.cmpi sge, %sub3A_674, %ge3A_676 : vector<16xi32>
      %lt3A_678 = arith.constant 128 : i32
      %lt3A_679 = vector.broadcast %lt3A_678 : i32 to vector<16xi32>
      %lt3A_680 = arith.cmpi slt, %sub3A_674, %lt3A_679 : vector<16xi32>
      %and3A_681 = arith.andi %ge3A_677, %lt3A_680 : vector<16xi1>
      %jit3A_682 = arith.constant 0 : i32
      %jit3A_683 = arith.constant 127 : i32
      %max3A_684 = vector.broadcast %jit3A_682 : i32 to vector<16xi32>
      %max3A_685 = arith.maxsi %max3A_684, %sub3A_674 : vector<16xi32>
      %min3A_686 = vector.broadcast %jit3A_683 : i32 to vector<16xi32>
      %min3A_687 = arith.minsi %min3A_686, %max3A_685 : vector<16xi32>
      %iota3A_688 = tpu.iota {dimensions = array<i32: 0>} : vector<16xi32>
      %add3A_689 = arith.constant 32 : i32
      %add3A_690 = vector.broadcast %add3A_689 : i32 to vector<16xi32>
      %add3A_691 = arith.addi %iota3A_688, %add3A_690 : vector<16xi32>
      tpu.vector_store_idx %arg7[%min3A_687, %add3A_691], %broadcast_in_dim3A_33 masked %and3A_681 : memref<128x128xf32, #tpu.memory_space<vmem>>[vector<16xi32>, vector<16xi32>], vector<16xf32>, vector<16xi1>
      %mul3A_692 = arith.constant 128 : i32
      %mul3A_693 = arith.muli %add3A_611, %mul3A_692 : i32
      %add3A_694 = arith.constant 48 : i32
      %add3A_695 = arith.addi %mul3A_693, %add3A_694 : i32
      %get3A_696 = arith.index_cast %add3A_695 : i32 to index
      %get3A_697 = tpu.vector_load %arg5[%get3A_696] {strides = array<i32>} : memref<15744xi32, #tpu.memory_space<vmem>>, vector<16xi32>,
      %sub3A_698 = vector.broadcast %mul3A_32 : i32 to vector<16xi32>
      %sub3A_699 = arith.subi %get3A_697, %sub3A_698 : vector<16xi32>
      %ge3A_700 = arith.constant 0 : i32
      %ge3A_701 = vector.broadcast %ge3A_700 : i32 to vector<16xi32>
      %ge3A_702 = arith.cmpi sge, %sub3A_699, %ge3A_701 : vector<16xi32>
      %lt3A_703 = arith.constant 128 : i32
      %lt3A_704 = vector.broadcast %lt3A_703 : i32 to vector<16xi32>
      %lt3A_705 = arith.cmpi slt, %sub3A_699, %lt3A_704 : vector<16xi32>
      %and3A_706 = arith.andi %ge3A_702, %lt3A_705 : vector<16xi1>
      %jit3A_707 = arith.constant 0 : i32
      %jit3A_708 = arith.constant 127 : i32
      %max3A_709 = vector.broadcast %jit3A_707 : i32 to vector<16xi32>
      %max3A_710 = arith.maxsi %max3A_709, %sub3A_699 : vector<16xi32>
      %min3A_711 = vector.broadcast %jit3A_708 : i32 to vector<16xi32>
      %min3A_712 = arith.minsi %min3A_711, %max3A_710 : vector<16xi32>
      %iota3A_713 = tpu.iota {dimensions = array<i32: 0>} : vector<16xi32>
      %add3A_714 = arith.constant 48 : i32
      %add3A_715 = vector.broadcast %add3A_714 : i32 to vector<16xi32>
      %add3A_716 = arith.addi %iota3A_713, %add3A_715 : vector<16xi32>
      tpu.vector_store_idx %arg7[%min3A_712, %add3A_716], %broadcast_in_dim3A_33 masked %and3A_706 : memref<128x128xf32, #tpu.memory_space<vmem>>[vector<16xi32>, vector<16xi32>], vector<16xf32>, vector<16xi1>
      %mul3A_717 = arith.constant 128 : i32
      %mul3A_718 = arith.muli %add3A_611, %mul3A_717 : i32
      %add3A_719 = arith.constant 64 : i32
      %add3A_720 = arith.addi %mul3A_718, %add3A_719 : i32
      %get3A_721 = arith.index_cast %add3A_720 : i32 to index
      %get3A_722 = tpu.vector_load %arg5[%get3A_721] {strides = array<i32>} : memref<15744xi32, #tpu.memory_space<vmem>>, vector<16xi32>,
      %sub3A_723 = vector.broadcast %mul3A_32 : i32 to vector<16xi32>
      %sub3A_724 = arith.subi %get3A_722, %sub3A_723 : vector<16xi32>
      %ge3A_725 = arith.constant 0 : i32
      %ge3A_726 = vector.broadcast %ge3A_725 : i32 to vector<16xi32>
      %ge3A_727 = arith.cmpi sge, %sub3A_724, %ge3A_726 : vector<16xi32>
      %lt3A_728 = arith.constant 128 : i32
      %lt3A_729 = vector.broadcast %lt3A_728 : i32 to vector<16xi32>
      %lt3A_730 = arith.cmpi slt, %sub3A_724, %lt3A_729 : vector<16xi32>
      %and3A_731 = arith.andi %ge3A_727, %lt3A_730 : vector<16xi1>
      %jit3A_732 = arith.constant 0 : i32
      %jit3A_733 = arith.constant 127 : i32
      %max3A_734 = vector.broadcast %jit3A_732 : i32 to vector<16xi32>
      %max3A_735 = arith.maxsi %max3A_734, %sub3A_724 : vector<16xi32>
      %min3A_736 = vector.broadcast %jit3A_733 : i32 to vector<16xi32>
      %min3A_737 = arith.minsi %min3A_736, %max3A_735 : vector<16xi32>
      %iota3A_738 = tpu.iota {dimensions = array<i32: 0>} : vector<16xi32>
      %add3A_739 = arith.constant 64 : i32
      %add3A_740 = vector.broadcast %add3A_739 : i32 to vector<16xi32>
      %add3A_741 = arith.addi %iota3A_738, %add3A_740 : vector<16xi32>
      tpu.vector_store_idx %arg7[%min3A_737, %add3A_741], %broadcast_in_dim3A_33 masked %and3A_731 : memref<128x128xf32, #tpu.memory_space<vmem>>[vector<16xi32>, vector<16xi32>], vector<16xf32>, vector<16xi1>
      %mul3A_742 = arith.constant 128 : i32
      %mul3A_743 = arith.muli %add3A_611, %mul3A_742 : i32
      %add3A_744 = arith.constant 80 : i32
      %add3A_745 = arith.addi %mul3A_743, %add3A_744 : i32
      %get3A_746 = arith.index_cast %add3A_745 : i32 to index
      %get3A_747 = tpu.vector_load %arg5[%get3A_746] {strides = array<i32>} : memref<15744xi32, #tpu.memory_space<vmem>>, vector<16xi32>,
      %sub3A_748 = vector.broadcast %mul3A_32 : i32 to vector<16xi32>
      %sub3A_749 = arith.subi %get3A_747, %sub3A_748 : vector<16xi32>
      %ge3A_750 = arith.constant 0 : i32
      %ge3A_751 = vector.broadcast %ge3A_750 : i32 to vector<16xi32>
      %ge3A_752 = arith.cmpi sge, %sub3A_749, %ge3A_751 : vector<16xi32>
      %lt3A_753 = arith.constant 128 : i32
      %lt3A_754 = vector.broadcast %lt3A_753 : i32 to vector<16xi32>
      %lt3A_755 = arith.cmpi slt, %sub3A_749, %lt3A_754 : vector<16xi32>
      %and3A_756 = arith.andi %ge3A_752, %lt3A_755 : vector<16xi1>
      %jit3A_757 = arith.constant 0 : i32
      %jit3A_758 = arith.constant 127 : i32
      %max3A_759 = vector.broadcast %jit3A_757 : i32 to vector<16xi32>
      %max3A_760 = arith.maxsi %max3A_759, %sub3A_749 : vector<16xi32>
      %min3A_761 = vector.broadcast %jit3A_758 : i32 to vector<16xi32>
      %min3A_762 = arith.minsi %min3A_761, %max3A_760 : vector<16xi32>
      %iota3A_763 = tpu.iota {dimensions = array<i32: 0>} : vector<16xi32>
      %add3A_764 = arith.constant 80 : i32
      %add3A_765 = vector.broadcast %add3A_764 : i32 to vector<16xi32>
      %add3A_766 = arith.addi %iota3A_763, %add3A_765 : vector<16xi32>
      tpu.vector_store_idx %arg7[%min3A_762, %add3A_766], %broadcast_in_dim3A_33 masked %and3A_756 : memref<128x128xf32, #tpu.memory_space<vmem>>[vector<16xi32>, vector<16xi32>], vector<16xf32>, vector<16xi1>
      %mul3A_767 = arith.constant 128 : i32
      %mul3A_768 = arith.muli %add3A_611, %mul3A_767 : i32
      %add3A_769 = arith.constant 96 : i32
      %add3A_770 = arith.addi %mul3A_768, %add3A_769 : i32
      %get3A_771 = arith.index_cast %add3A_770 : i32 to index
      %get3A_772 = tpu.vector_load %arg5[%get3A_771] {strides = array<i32>} : memref<15744xi32, #tpu.memory_space<vmem>>, vector<16xi32>,
      %sub3A_773 = vector.broadcast %mul3A_32 : i32 to vector<16xi32>
      %sub3A_774 = arith.subi %get3A_772, %sub3A_773 : vector<16xi32>
      %ge3A_775 = arith.constant 0 : i32
      %ge3A_776 = vector.broadcast %ge3A_775 : i32 to vector<16xi32>
      %ge3A_777 = arith.cmpi sge, %sub3A_774, %ge3A_776 : vector<16xi32>
      %lt3A_778 = arith.constant 128 : i32
      %lt3A_779 = vector.broadcast %lt3A_778 : i32 to vector<16xi32>
      %lt3A_780 = arith.cmpi slt, %sub3A_774, %lt3A_779 : vector<16xi32>
      %and3A_781 = arith.andi %ge3A_777, %lt3A_780 : vector<16xi1>
      %jit3A_782 = arith.constant 0 : i32
      %jit3A_783 = arith.constant 127 : i32
      %max3A_784 = vector.broadcast %jit3A_782 : i32 to vector<16xi32>
      %max3A_785 = arith.maxsi %max3A_784, %sub3A_774 : vector<16xi32>
      %min3A_786 = vector.broadcast %jit3A_783 : i32 to vector<16xi32>
      %min3A_787 = arith.minsi %min3A_786, %max3A_785 : vector<16xi32>
      %iota3A_788 = tpu.iota {dimensions = array<i32: 0>} : vector<16xi32>
      %add3A_789 = arith.constant 96 : i32
      %add3A_790 = vector.broadcast %add3A_789 : i32 to vector<16xi32>
      %add3A_791 = arith.addi %iota3A_788, %add3A_790 : vector<16xi32>
      tpu.vector_store_idx %arg7[%min3A_787, %add3A_791], %broadcast_in_dim3A_33 masked %and3A_781 : memref<128x128xf32, #tpu.memory_space<vmem>>[vector<16xi32>, vector<16xi32>], vector<16xf32>, vector<16xi1>
      %mul3A_792 = arith.constant 128 : i32
      %mul3A_793 = arith.muli %add3A_611, %mul3A_792 : i32
      %add3A_794 = arith.constant 112 : i32
      %add3A_795 = arith.addi %mul3A_793, %add3A_794 : i32
      %get3A_796 = arith.index_cast %add3A_795 : i32 to index
      %get3A_797 = tpu.vector_load %arg5[%get3A_796] {strides = array<i32>} : memref<15744xi32, #tpu.memory_space<vmem>>, vector<16xi32>,
      %sub3A_798 = vector.broadcast %mul3A_32 : i32 to vector<16xi32>
      %sub3A_799 = arith.subi %get3A_797, %sub3A_798 : vector<16xi32>
      %ge3A_800 = arith.constant 0 : i32
      %ge3A_801 = vector.broadcast %ge3A_800 : i32 to vector<16xi32>
      %ge3A_802 = arith.cmpi sge, %sub3A_799, %ge3A_801 : vector<16xi32>
      %lt3A_803 = arith.constant 128 : i32
      %lt3A_804 = vector.broadcast %lt3A_803 : i32 to vector<16xi32>
      %lt3A_805 = arith.cmpi slt, %sub3A_799, %lt3A_804 : vector<16xi32>
      %and3A_806 = arith.andi %ge3A_802, %lt3A_805 : vector<16xi1>
      %jit3A_807 = arith.constant 0 : i32
      %jit3A_808 = arith.constant 127 : i32
      %max3A_809 = vector.broadcast %jit3A_807 : i32 to vector<16xi32>
      %max3A_810 = arith.maxsi %max3A_809, %sub3A_799 : vector<16xi32>
      %min3A_811 = vector.broadcast %jit3A_808 : i32 to vector<16xi32>
      %min3A_812 = arith.minsi %min3A_811, %max3A_810 : vector<16xi32>
      %iota3A_813 = tpu.iota {dimensions = array<i32: 0>} : vector<16xi32>
      %add3A_814 = arith.constant 112 : i32
      %add3A_815 = vector.broadcast %add3A_814 : i32 to vector<16xi32>
      %add3A_816 = arith.addi %iota3A_813, %add3A_815 : vector<16xi32>
      tpu.vector_store_idx %arg7[%min3A_812, %add3A_816], %broadcast_in_dim3A_33 masked %and3A_806 : memref<128x128xf32, #tpu.memory_space<vmem>>[vector<16xi32>, vector<16xi32>], vector<16xf32>, vector<16xi1>
      %mul3A_817 = arith.constant 128 : i32
      %mul3A_818 = arith.muli %add3A_611, %mul3A_817 : i32
      %dma_start3A_819 = tpu.memref_slice %arg4[%select_n3A, %mul3A_32, %mul3A_818] : memref<16x256x15744xf32, #tpu.memory_space<hbm>> -> memref<1x128x128xf32, #tpu.memory_space<hbm>>
      %dma_start3A_820 = tpu.memref_squeeze %dma_start3A_819 : memref<1x128x128xf32, #tpu.memory_space<hbm>> -> memref<128x128xf32, #tpu.memory_space<hbm>>
      %dma_start3A_821 = tpu.memref_slice %arg4[%select_n3A, %mul3A_32, %mul3A_818] : memref<16x256x15744xf32, #tpu.memory_space<hbm>> -> memref<1x128x128xf32, #tpu.memory_space<hbm>>
      %dma_start3A_822 = tpu.memref_squeeze %dma_start3A_821 : memref<1x128x128xf32, #tpu.memory_space<hbm>> -> memref<128x128xf32, #tpu.memory_space<hbm>>
      tpu.enqueue_dma source(%arg7 : memref<128x128xf32, #tpu.memory_space<vmem>>) target(%dma_start3A_822 : memref<128x128xf32, #tpu.memory_space<hbm>>) target_semaphore(%arg9 : memref<!tpu.dma_semaphore, #tpu.memory_space<semaphore_mem>>)
    }
    %scan3A_40 = arith.constant 61 : i32
    %dma_wait3A = arith.constant 15360 : i32
    %dma_wait3A_41 = tpu.memref_slice %arg4[%select_n3A, %mul3A_32, %dma_wait3A] : memref<16x256x15744xf32, #tpu.memory_space<hbm>> -> memref<1x128x128xf32, #tpu.memory_space<hbm>>
    %dma_wait3A_42 = tpu.memref_squeeze %dma_wait3A_41 : memref<1x128x128xf32, #tpu.memory_space<hbm>> -> memref<128x128xf32, #tpu.memory_space<hbm>>
    %dma_wait3A_43 = arith.constant 15360 : i32
    %dma_wait3A_44 = tpu.memref_slice %arg4[%select_n3A, %mul3A_32, %dma_wait3A_43] : memref<16x256x15744xf32, #tpu.memory_space<hbm>> -> memref<1x128x128xf32, #tpu.memory_space<hbm>>
    %dma_wait3A_45 = tpu.memref_squeeze %dma_wait3A_44 : memref<1x128x128xf32, #tpu.memory_space<hbm>> -> memref<128x128xf32, #tpu.memory_space<hbm>>
    tpu.wait_dma2 semaphore(%arg8 : memref<!tpu.dma_semaphore, #tpu.memory_space<semaphore_mem>>) src(%arg6 : memref<128x128xf32, #tpu.memory_space<vmem>>) dst(%dma_wait3A_45 : memref<128x128xf32, #tpu.memory_space<hbm>>)
    %get3A = arith.constant 15360 : index
    %get3A_46 = tpu.vector_load %arg5[%get3A] {strides = array<i32>} : memref<15744xi32, #tpu.memory_space<vmem>>, vector<16xi32>,
    %sub3A_47 = vector.broadcast %mul3A_32 : i32 to vector<16xi32>
    %sub3A_48 = arith.subi %get3A_46, %sub3A_47 : vector<16xi32>
    %ge3A = arith.constant 0 : i32
    %ge3A_49 = vector.broadcast %ge3A : i32 to vector<16xi32>
    %ge3A_50 = arith.cmpi sge, %sub3A_48, %ge3A_49 : vector<16xi32>
    %lt3A_51 = arith.constant 128 : i32
    %lt3A_52 = vector.broadcast %lt3A_51 : i32 to vector<16xi32>
    %lt3A_53 = arith.cmpi slt, %sub3A_48, %lt3A_52 : vector<16xi32>
    %and3A_54 = arith.andi %ge3A_50, %lt3A_53 : vector<16xi1>
    %jit3A_55 = arith.constant 0 : i32
    %jit3A_56 = arith.constant 127 : i32
    %max3A = vector.broadcast %jit3A_55 : i32 to vector<16xi32>
    %max3A_57 = arith.maxsi %max3A, %sub3A_48 : vector<16xi32>
    %min3A = vector.broadcast %jit3A_56 : i32 to vector<16xi32>
    %min3A_58 = arith.minsi %min3A, %max3A_57 : vector<16xi32>
    %iota3A = tpu.iota {dimensions = array<i32: 0>} : vector<16xi32>
    %add3A_59 = arith.constant 0 : i32
    %add3A_60 = vector.broadcast %add3A_59 : i32 to vector<16xi32>
    %add3A_61 = arith.addi %iota3A, %add3A_60 : vector<16xi32>
    tpu.vector_store_idx %arg6[%min3A_58, %add3A_61], %broadcast_in_dim3A_35 masked %and3A_54 : memref<128x128xf32, #tpu.memory_space<vmem>>[vector<16xi32>, vector<16xi32>], vector<16xf32>, vector<16xi1>
    %get3A_62 = arith.constant 15376 : index
    %get3A_63 = tpu.vector_load %arg5[%get3A_62] {strides = array<i32>} : memref<15744xi32, #tpu.memory_space<vmem>>, vector<16xi32>,
    %sub3A_64 = vector.broadcast %mul3A_32 : i32 to vector<16xi32>
    %sub3A_65 = arith.subi %get3A_63, %sub3A_64 : vector<16xi32>
    %ge3A_66 = arith.constant 0 : i32
    %ge3A_67 = vector.broadcast %ge3A_66 : i32 to vector<16xi32>
    %ge3A_68 = arith.cmpi sge, %sub3A_65, %ge3A_67 : vector<16xi32>
    %lt3A_69 = arith.constant 128 : i32
    %lt3A_70 = vector.broadcast %lt3A_69 : i32 to vector<16xi32>
    %lt3A_71 = arith.cmpi slt, %sub3A_65, %lt3A_70 : vector<16xi32>
    %and3A_72 = arith.andi %ge3A_68, %lt3A_71 : vector<16xi1>
    %jit3A_73 = arith.constant 0 : i32
    %jit3A_74 = arith.constant 127 : i32
    %max3A_75 = vector.broadcast %jit3A_73 : i32 to vector<16xi32>
    %max3A_76 = arith.maxsi %max3A_75, %sub3A_65 : vector<16xi32>
    %min3A_77 = vector.broadcast %jit3A_74 : i32 to vector<16xi32>
    %min3A_78 = arith.minsi %min3A_77, %max3A_76 : vector<16xi32>
    %iota3A_79 = tpu.iota {dimensions = array<i32: 0>} : vector<16xi32>
    %add3A_80 = arith.constant 16 : i32
    %add3A_81 = vector.broadcast %add3A_80 : i32 to vector<16xi32>
    %add3A_82 = arith.addi %iota3A_79, %add3A_81 : vector<16xi32>
    tpu.vector_store_idx %arg6[%min3A_78, %add3A_82], %broadcast_in_dim3A_35 masked %and3A_72 : memref<128x128xf32, #tpu.memory_space<vmem>>[vector<16xi32>, vector<16xi32>], vector<16xf32>, vector<16xi1>
    %get3A_83 = arith.constant 15392 : index
    %get3A_84 = tpu.vector_load %arg5[%get3A_83] {strides = array<i32>} : memref<15744xi32, #tpu.memory_space<vmem>>, vector<16xi32>,
    %sub3A_85 = vector.broadcast %mul3A_32 : i32 to vector<16xi32>
    %sub3A_86 = arith.subi %get3A_84, %sub3A_85 : vector<16xi32>
    %ge3A_87 = arith.constant 0 : i32
    %ge3A_88 = vector.broadcast %ge3A_87 : i32 to vector<16xi32>
    %ge3A_89 = arith.cmpi sge, %sub3A_86, %ge3A_88 : vector<16xi32>
    %lt3A_90 = arith.constant 128 : i32
    %lt3A_91 = vector.broadcast %lt3A_90 : i32 to vector<16xi32>
    %lt3A_92 = arith.cmpi slt, %sub3A_86, %lt3A_91 : vector<16xi32>
    %and3A_93 = arith.andi %ge3A_89, %lt3A_92 : vector<16xi1>
    %jit3A_94 = arith.constant 0 : i32
    %jit3A_95 = arith.constant 127 : i32
    %max3A_96 = vector.broadcast %jit3A_94 : i32 to vector<16xi32>
    %max3A_97 = arith.maxsi %max3A_96, %sub3A_86 : vector<16xi32>
    %min3A_98 = vector.broadcast %jit3A_95 : i32 to vector<16xi32>
    %min3A_99 = arith.minsi %min3A_98, %max3A_97 : vector<16xi32>
    %iota3A_100 = tpu.iota {dimensions = array<i32: 0>} : vector<16xi32>
    %add3A_101 = arith.constant 32 : i32
    %add3A_102 = vector.broadcast %add3A_101 : i32 to vector<16xi32>
    %add3A_103 = arith.addi %iota3A_100, %add3A_102 : vector<16xi32>
    tpu.vector_store_idx %arg6[%min3A_99, %add3A_103], %broadcast_in_dim3A_35 masked %and3A_93 : memref<128x128xf32, #tpu.memory_space<vmem>>[vector<16xi32>, vector<16xi32>], vector<16xf32>, vector<16xi1>
    %get3A_104 = arith.constant 15408 : index
    %get3A_105 = tpu.vector_load %arg5[%get3A_104] {strides = array<i32>} : memref<15744xi32, #tpu.memory_space<vmem>>, vector<16xi32>,
    %sub3A_106 = vector.broadcast %mul3A_32 : i32 to vector<16xi32>
    %sub3A_107 = arith.subi %get3A_105, %sub3A_106 : vector<16xi32>
    %ge3A_108 = arith.constant 0 : i32
    %ge3A_109 = vector.broadcast %ge3A_108 : i32 to vector<16xi32>
    %ge3A_110 = arith.cmpi sge, %sub3A_107, %ge3A_109 : vector<16xi32>
    %lt3A_111 = arith.constant 128 : i32
    %lt3A_112 = vector.broadcast %lt3A_111 : i32 to vector<16xi32>
    %lt3A_113 = arith.cmpi slt, %sub3A_107, %lt3A_112 : vector<16xi32>
    %and3A_114 = arith.andi %ge3A_110, %lt3A_113 : vector<16xi1>
    %jit3A_115 = arith.constant 0 : i32
    %jit3A_116 = arith.constant 127 : i32
    %max3A_117 = vector.broadcast %jit3A_115 : i32 to vector<16xi32>
    %max3A_118 = arith.maxsi %max3A_117, %sub3A_107 : vector<16xi32>
    %min3A_119 = vector.broadcast %jit3A_116 : i32 to vector<16xi32>
    %min3A_120 = arith.minsi %min3A_119, %max3A_118 : vector<16xi32>
    %iota3A_121 = tpu.iota {dimensions = array<i32: 0>} : vector<16xi32>
    %add3A_122 = arith.constant 48 : i32
    %add3A_123 = vector.broadcast %add3A_122 : i32 to vector<16xi32>
    %add3A_124 = arith.addi %iota3A_121, %add3A_123 : vector<16xi32>
    tpu.vector_store_idx %arg6[%min3A_120, %add3A_124], %broadcast_in_dim3A_35 masked %and3A_114 : memref<128x128xf32, #tpu.memory_space<vmem>>[vector<16xi32>, vector<16xi32>], vector<16xf32>, vector<16xi1>
    %get3A_125 = arith.constant 15424 : index
    %get3A_126 = tpu.vector_load %arg5[%get3A_125] {strides = array<i32>} : memref<15744xi32, #tpu.memory_space<vmem>>, vector<16xi32>,
    %sub3A_127 = vector.broadcast %mul3A_32 : i32 to vector<16xi32>
    %sub3A_128 = arith.subi %get3A_126, %sub3A_127 : vector<16xi32>
    %ge3A_129 = arith.constant 0 : i32
    %ge3A_130 = vector.broadcast %ge3A_129 : i32 to vector<16xi32>
    %ge3A_131 = arith.cmpi sge, %sub3A_128, %ge3A_130 : vector<16xi32>
    %lt3A_132 = arith.constant 128 : i32
    %lt3A_133 = vector.broadcast %lt3A_132 : i32 to vector<16xi32>
    %lt3A_134 = arith.cmpi slt, %sub3A_128, %lt3A_133 : vector<16xi32>
    %and3A_135 = arith.andi %ge3A_131, %lt3A_134 : vector<16xi1>
    %jit3A_136 = arith.constant 0 : i32
    %jit3A_137 = arith.constant 127 : i32
    %max3A_138 = vector.broadcast %jit3A_136 : i32 to vector<16xi32>
    %max3A_139 = arith.maxsi %max3A_138, %sub3A_128 : vector<16xi32>
    %min3A_140 = vector.broadcast %jit3A_137 : i32 to vector<16xi32>
    %min3A_141 = arith.minsi %min3A_140, %max3A_139 : vector<16xi32>
    %iota3A_142 = tpu.iota {dimensions = array<i32: 0>} : vector<16xi32>
    %add3A_143 = arith.constant 64 : i32
    %add3A_144 = vector.broadcast %add3A_143 : i32 to vector<16xi32>
    %add3A_145 = arith.addi %iota3A_142, %add3A_144 : vector<16xi32>
    tpu.vector_store_idx %arg6[%min3A_141, %add3A_145], %broadcast_in_dim3A_35 masked %and3A_135 : memref<128x128xf32, #tpu.memory_space<vmem>>[vector<16xi32>, vector<16xi32>], vector<16xf32>, vector<16xi1>
    %get3A_146 = arith.constant 15440 : index
    %get3A_147 = tpu.vector_load %arg5[%get3A_146] {strides = array<i32>} : memref<15744xi32, #tpu.memory_space<vmem>>, vector<16xi32>,
    %sub3A_148 = vector.broadcast %mul3A_32 : i32 to vector<16xi32>
    %sub3A_149 = arith.subi %get3A_147, %sub3A_148 : vector<16xi32>
    %ge3A_150 = arith.constant 0 : i32
    %ge3A_151 = vector.broadcast %ge3A_150 : i32 to vector<16xi32>
    %ge3A_152 = arith.cmpi sge, %sub3A_149, %ge3A_151 : vector<16xi32>
    %lt3A_153 = arith.constant 128 : i32
    %lt3A_154 = vector.broadcast %lt3A_153 : i32 to vector<16xi32>
    %lt3A_155 = arith.cmpi slt, %sub3A_149, %lt3A_154 : vector<16xi32>
    %and3A_156 = arith.andi %ge3A_152, %lt3A_155 : vector<16xi1>
    %jit3A_157 = arith.constant 0 : i32
    %jit3A_158 = arith.constant 127 : i32
    %max3A_159 = vector.broadcast %jit3A_157 : i32 to vector<16xi32>
    %max3A_160 = arith.maxsi %max3A_159, %sub3A_149 : vector<16xi32>
    %min3A_161 = vector.broadcast %jit3A_158 : i32 to vector<16xi32>
    %min3A_162 = arith.minsi %min3A_161, %max3A_160 : vector<16xi32>
    %iota3A_163 = tpu.iota {dimensions = array<i32: 0>} : vector<16xi32>
    %add3A_164 = arith.constant 80 : i32
    %add3A_165 = vector.broadcast %add3A_164 : i32 to vector<16xi32>
    %add3A_166 = arith.addi %iota3A_163, %add3A_165 : vector<16xi32>
    tpu.vector_store_idx %arg6[%min3A_162, %add3A_166], %broadcast_in_dim3A_35 masked %and3A_156 : memref<128x128xf32, #tpu.memory_space<vmem>>[vector<16xi32>, vector<16xi32>], vector<16xf32>, vector<16xi1>
    %get3A_167 = arith.constant 15456 : index
    %get3A_168 = tpu.vector_load %arg5[%get3A_167] {strides = array<i32>} : memref<15744xi32, #tpu.memory_space<vmem>>, vector<16xi32>,
    %sub3A_169 = vector.broadcast %mul3A_32 : i32 to vector<16xi32>
    %sub3A_170 = arith.subi %get3A_168, %sub3A_169 : vector<16xi32>
    %ge3A_171 = arith.constant 0 : i32
    %ge3A_172 = vector.broadcast %ge3A_171 : i32 to vector<16xi32>
    %ge3A_173 = arith.cmpi sge, %sub3A_170, %ge3A_172 : vector<16xi32>
    %lt3A_174 = arith.constant 128 : i32
    %lt3A_175 = vector.broadcast %lt3A_174 : i32 to vector<16xi32>
    %lt3A_176 = arith.cmpi slt, %sub3A_170, %lt3A_175 : vector<16xi32>
    %and3A_177 = arith.andi %ge3A_173, %lt3A_176 : vector<16xi1>
    %jit3A_178 = arith.constant 0 : i32
    %jit3A_179 = arith.constant 127 : i32
    %max3A_180 = vector.broadcast %jit3A_178 : i32 to vector<16xi32>
    %max3A_181 = arith.maxsi %max3A_180, %sub3A_170 : vector<16xi32>
    %min3A_182 = vector.broadcast %jit3A_179 : i32 to vector<16xi32>
    %min3A_183 = arith.minsi %min3A_182, %max3A_181 : vector<16xi32>
    %iota3A_184 = tpu.iota {dimensions = array<i32: 0>} : vector<16xi32>
    %add3A_185 = arith.constant 96 : i32
    %add3A_186 = vector.broadcast %add3A_185 : i32 to vector<16xi32>
    %add3A_187 = arith.addi %iota3A_184, %add3A_186 : vector<16xi32>
    tpu.vector_store_idx %arg6[%min3A_183, %add3A_187], %broadcast_in_dim3A_35 masked %and3A_177 : memref<128x128xf32, #tpu.memory_space<vmem>>[vector<16xi32>, vector<16xi32>], vector<16xf32>, vector<16xi1>
    %get3A_188 = arith.constant 15472 : index
    %get3A_189 = tpu.vector_load %arg5[%get3A_188] {strides = array<i32>} : memref<15744xi32, #tpu.memory_space<vmem>>, vector<16xi32>,
    %sub3A_190 = vector.broadcast %mul3A_32 : i32 to vector<16xi32>
    %sub3A_191 = arith.subi %get3A_189, %sub3A_190 : vector<16xi32>
    %ge3A_192 = arith.constant 0 : i32
    %ge3A_193 = vector.broadcast %ge3A_192 : i32 to vector<16xi32>
    %ge3A_194 = arith.cmpi sge, %sub3A_191, %ge3A_193 : vector<16xi32>
    %lt3A_195 = arith.constant 128 : i32
    %lt3A_196 = vector.broadcast %lt3A_195 : i32 to vector<16xi32>
    %lt3A_197 = arith.cmpi slt, %sub3A_191, %lt3A_196 : vector<16xi32>
    %and3A_198 = arith.andi %ge3A_194, %lt3A_197 : vector<16xi1>
    %jit3A_199 = arith.constant 0 : i32
    %jit3A_200 = arith.constant 127 : i32
    %max3A_201 = vector.broadcast %jit3A_199 : i32 to vector<16xi32>
    %max3A_202 = arith.maxsi %max3A_201, %sub3A_191 : vector<16xi32>
    %min3A_203 = vector.broadcast %jit3A_200 : i32 to vector<16xi32>
    %min3A_204 = arith.minsi %min3A_203, %max3A_202 : vector<16xi32>
    %iota3A_205 = tpu.iota {dimensions = array<i32: 0>} : vector<16xi32>
    %add3A_206 = arith.constant 112 : i32
    %add3A_207 = vector.broadcast %add3A_206 : i32 to vector<16xi32>
    %add3A_208 = arith.addi %iota3A_205, %add3A_207 : vector<16xi32>
    tpu.vector_store_idx %arg6[%min3A_204, %add3A_208], %broadcast_in_dim3A_35 masked %and3A_198 : memref<128x128xf32, #tpu.memory_space<vmem>>[vector<16xi32>, vector<16xi32>], vector<16xf32>, vector<16xi1>
    %get3A_209 = arith.constant 15616 : index
    %get3A_210 = tpu.vector_load %arg5[%get3A_209] {strides = array<i32>} : memref<15744xi32, #tpu.memory_space<vmem>>, vector<16xi32>,
    %sub3A_211 = vector.broadcast %mul3A_32 : i32 to vector<16xi32>
    %sub3A_212 = arith.subi %get3A_210, %sub3A_211 : vector<16xi32>
    %ge3A_213 = arith.constant 0 : i32
    %ge3A_214 = vector.broadcast %ge3A_213 : i32 to vector<16xi32>
    %ge3A_215 = arith.cmpi sge, %sub3A_212, %ge3A_214 : vector<16xi32>
    %lt3A_216 = arith.constant 128 : i32
    %lt3A_217 = vector.broadcast %lt3A_216 : i32 to vector<16xi32>
    %lt3A_218 = arith.cmpi slt, %sub3A_212, %lt3A_217 : vector<16xi32>
    %and3A_219 = arith.andi %ge3A_215, %lt3A_218 : vector<16xi1>
    %jit3A_220 = arith.constant 0 : i32
    %jit3A_221 = arith.constant 127 : i32
    %max3A_222 = vector.broadcast %jit3A_220 : i32 to vector<16xi32>
    %max3A_223 = arith.maxsi %max3A_222, %sub3A_212 : vector<16xi32>
    %min3A_224 = vector.broadcast %jit3A_221 : i32 to vector<16xi32>
    %min3A_225 = arith.minsi %min3A_224, %max3A_223 : vector<16xi32>
    %iota3A_226 = tpu.iota {dimensions = array<i32: 0>} : vector<16xi32>
    %add3A_227 = arith.constant 0 : i32
    %add3A_228 = vector.broadcast %add3A_227 : i32 to vector<16xi32>
    %add3A_229 = arith.addi %iota3A_226, %add3A_228 : vector<16xi32>
    tpu.vector_store_idx %arg6[%min3A_225, %add3A_229], %broadcast_in_dim3A_33 masked %and3A_219 : memref<128x128xf32, #tpu.memory_space<vmem>>[vector<16xi32>, vector<16xi32>], vector<16xf32>, vector<16xi1>
    %get3A_230 = arith.constant 15632 : index
    %get3A_231 = tpu.vector_load %arg5[%get3A_230] {strides = array<i32>} : memref<15744xi32, #tpu.memory_space<vmem>>, vector<16xi32>,
    %sub3A_232 = vector.broadcast %mul3A_32 : i32 to vector<16xi32>
    %sub3A_233 = arith.subi %get3A_231, %sub3A_232 : vector<16xi32>
    %ge3A_234 = arith.constant 0 : i32
    %ge3A_235 = vector.broadcast %ge3A_234 : i32 to vector<16xi32>
    %ge3A_236 = arith.cmpi sge, %sub3A_233, %ge3A_235 : vector<16xi32>
    %lt3A_237 = arith.constant 128 : i32
    %lt3A_238 = vector.broadcast %lt3A_237 : i32 to vector<16xi32>
    %lt3A_239 = arith.cmpi slt, %sub3A_233, %lt3A_238 : vector<16xi32>
    %and3A_240 = arith.andi %ge3A_236, %lt3A_239 : vector<16xi1>
    %jit3A_241 = arith.constant 0 : i32
    %jit3A_242 = arith.constant 127 : i32
    %max3A_243 = vector.broadcast %jit3A_241 : i32 to vector<16xi32>
    %max3A_244 = arith.maxsi %max3A_243, %sub3A_233 : vector<16xi32>
    %min3A_245 = vector.broadcast %jit3A_242 : i32 to vector<16xi32>
    %min3A_246 = arith.minsi %min3A_245, %max3A_244 : vector<16xi32>
    %iota3A_247 = tpu.iota {dimensions = array<i32: 0>} : vector<16xi32>
    %add3A_248 = arith.constant 16 : i32
    %add3A_249 = vector.broadcast %add3A_248 : i32 to vector<16xi32>
    %add3A_250 = arith.addi %iota3A_247, %add3A_249 : vector<16xi32>
    tpu.vector_store_idx %arg6[%min3A_246, %add3A_250], %broadcast_in_dim3A_33 masked %and3A_240 : memref<128x128xf32, #tpu.memory_space<vmem>>[vector<16xi32>, vector<16xi32>], vector<16xf32>, vector<16xi1>
    %get3A_251 = arith.constant 15648 : index
    %get3A_252 = tpu.vector_load %arg5[%get3A_251] {strides = array<i32>} : memref<15744xi32, #tpu.memory_space<vmem>>, vector<16xi32>,
    %sub3A_253 = vector.broadcast %mul3A_32 : i32 to vector<16xi32>
    %sub3A_254 = arith.subi %get3A_252, %sub3A_253 : vector<16xi32>
    %ge3A_255 = arith.constant 0 : i32
    %ge3A_256 = vector.broadcast %ge3A_255 : i32 to vector<16xi32>
    %ge3A_257 = arith.cmpi sge, %sub3A_254, %ge3A_256 : vector<16xi32>
    %lt3A_258 = arith.constant 128 : i32
    %lt3A_259 = vector.broadcast %lt3A_258 : i32 to vector<16xi32>
    %lt3A_260 = arith.cmpi slt, %sub3A_254, %lt3A_259 : vector<16xi32>
    %and3A_261 = arith.andi %ge3A_257, %lt3A_260 : vector<16xi1>
    %jit3A_262 = arith.constant 0 : i32
    %jit3A_263 = arith.constant 127 : i32
    %max3A_264 = vector.broadcast %jit3A_262 : i32 to vector<16xi32>
    %max3A_265 = arith.maxsi %max3A_264, %sub3A_254 : vector<16xi32>
    %min3A_266 = vector.broadcast %jit3A_263 : i32 to vector<16xi32>
    %min3A_267 = arith.minsi %min3A_266, %max3A_265 : vector<16xi32>
    %iota3A_268 = tpu.iota {dimensions = array<i32: 0>} : vector<16xi32>
    %add3A_269 = arith.constant 32 : i32
    %add3A_270 = vector.broadcast %add3A_269 : i32 to vector<16xi32>
    %add3A_271 = arith.addi %iota3A_268, %add3A_270 : vector<16xi32>
    tpu.vector_store_idx %arg6[%min3A_267, %add3A_271], %broadcast_in_dim3A_33 masked %and3A_261 : memref<128x128xf32, #tpu.memory_space<vmem>>[vector<16xi32>, vector<16xi32>], vector<16xf32>, vector<16xi1>
    %get3A_272 = arith.constant 15664 : index
    %get3A_273 = tpu.vector_load %arg5[%get3A_272] {strides = array<i32>} : memref<15744xi32, #tpu.memory_space<vmem>>, vector<16xi32>,
    %sub3A_274 = vector.broadcast %mul3A_32 : i32 to vector<16xi32>
    %sub3A_275 = arith.subi %get3A_273, %sub3A_274 : vector<16xi32>
    %ge3A_276 = arith.constant 0 : i32
    %ge3A_277 = vector.broadcast %ge3A_276 : i32 to vector<16xi32>
    %ge3A_278 = arith.cmpi sge, %sub3A_275, %ge3A_277 : vector<16xi32>
    %lt3A_279 = arith.constant 128 : i32
    %lt3A_280 = vector.broadcast %lt3A_279 : i32 to vector<16xi32>
    %lt3A_281 = arith.cmpi slt, %sub3A_275, %lt3A_280 : vector<16xi32>
    %and3A_282 = arith.andi %ge3A_278, %lt3A_281 : vector<16xi1>
    %jit3A_283 = arith.constant 0 : i32
    %jit3A_284 = arith.constant 127 : i32
    %max3A_285 = vector.broadcast %jit3A_283 : i32 to vector<16xi32>
    %max3A_286 = arith.maxsi %max3A_285, %sub3A_275 : vector<16xi32>
    %min3A_287 = vector.broadcast %jit3A_284 : i32 to vector<16xi32>
    %min3A_288 = arith.minsi %min3A_287, %max3A_286 : vector<16xi32>
    %iota3A_289 = tpu.iota {dimensions = array<i32: 0>} : vector<16xi32>
    %add3A_290 = arith.constant 48 : i32
    %add3A_291 = vector.broadcast %add3A_290 : i32 to vector<16xi32>
    %add3A_292 = arith.addi %iota3A_289, %add3A_291 : vector<16xi32>
    tpu.vector_store_idx %arg6[%min3A_288, %add3A_292], %broadcast_in_dim3A_33 masked %and3A_282 : memref<128x128xf32, #tpu.memory_space<vmem>>[vector<16xi32>, vector<16xi32>], vector<16xf32>, vector<16xi1>
    %get3A_293 = arith.constant 15680 : index
    %get3A_294 = tpu.vector_load %arg5[%get3A_293] {strides = array<i32>} : memref<15744xi32, #tpu.memory_space<vmem>>, vector<16xi32>,
    %sub3A_295 = vector.broadcast %mul3A_32 : i32 to vector<16xi32>
    %sub3A_296 = arith.subi %get3A_294, %sub3A_295 : vector<16xi32>
    %ge3A_297 = arith.constant 0 : i32
    %ge3A_298 = vector.broadcast %ge3A_297 : i32 to vector<16xi32>
    %ge3A_299 = arith.cmpi sge, %sub3A_296, %ge3A_298 : vector<16xi32>
    %lt3A_300 = arith.constant 128 : i32
    %lt3A_301 = vector.broadcast %lt3A_300 : i32 to vector<16xi32>
    %lt3A_302 = arith.cmpi slt, %sub3A_296, %lt3A_301 : vector<16xi32>
    %and3A_303 = arith.andi %ge3A_299, %lt3A_302 : vector<16xi1>
    %jit3A_304 = arith.constant 0 : i32
    %jit3A_305 = arith.constant 127 : i32
    %max3A_306 = vector.broadcast %jit3A_304 : i32 to vector<16xi32>
    %max3A_307 = arith.maxsi %max3A_306, %sub3A_296 : vector<16xi32>
    %min3A_308 = vector.broadcast %jit3A_305 : i32 to vector<16xi32>
    %min3A_309 = arith.minsi %min3A_308, %max3A_307 : vector<16xi32>
    %iota3A_310 = tpu.iota {dimensions = array<i32: 0>} : vector<16xi32>
    %add3A_311 = arith.constant 64 : i32
    %add3A_312 = vector.broadcast %add3A_311 : i32 to vector<16xi32>
    %add3A_313 = arith.addi %iota3A_310, %add3A_312 : vector<16xi32>
    tpu.vector_store_idx %arg6[%min3A_309, %add3A_313], %broadcast_in_dim3A_33 masked %and3A_303 : memref<128x128xf32, #tpu.memory_space<vmem>>[vector<16xi32>, vector<16xi32>], vector<16xf32>, vector<16xi1>
    %get3A_314 = arith.constant 15696 : index
    %get3A_315 = tpu.vector_load %arg5[%get3A_314] {strides = array<i32>} : memref<15744xi32, #tpu.memory_space<vmem>>, vector<16xi32>,
    %sub3A_316 = vector.broadcast %mul3A_32 : i32 to vector<16xi32>
    %sub3A_317 = arith.subi %get3A_315, %sub3A_316 : vector<16xi32>
    %ge3A_318 = arith.constant 0 : i32
    %ge3A_319 = vector.broadcast %ge3A_318 : i32 to vector<16xi32>
    %ge3A_320 = arith.cmpi sge, %sub3A_317, %ge3A_319 : vector<16xi32>
    %lt3A_321 = arith.constant 128 : i32
    %lt3A_322 = vector.broadcast %lt3A_321 : i32 to vector<16xi32>
    %lt3A_323 = arith.cmpi slt, %sub3A_317, %lt3A_322 : vector<16xi32>
    %and3A_324 = arith.andi %ge3A_320, %lt3A_323 : vector<16xi1>
    %jit3A_325 = arith.constant 0 : i32
    %jit3A_326 = arith.constant 127 : i32
    %max3A_327 = vector.broadcast %jit3A_325 : i32 to vector<16xi32>
    %max3A_328 = arith.maxsi %max3A_327, %sub3A_317 : vector<16xi32>
    %min3A_329 = vector.broadcast %jit3A_326 : i32 to vector<16xi32>
    %min3A_330 = arith.minsi %min3A_329, %max3A_328 : vector<16xi32>
    %iota3A_331 = tpu.iota {dimensions = array<i32: 0>} : vector<16xi32>
    %add3A_332 = arith.constant 80 : i32
    %add3A_333 = vector.broadcast %add3A_332 : i32 to vector<16xi32>
    %add3A_334 = arith.addi %iota3A_331, %add3A_333 : vector<16xi32>
    tpu.vector_store_idx %arg6[%min3A_330, %add3A_334], %broadcast_in_dim3A_33 masked %and3A_324 : memref<128x128xf32, #tpu.memory_space<vmem>>[vector<16xi32>, vector<16xi32>], vector<16xf32>, vector<16xi1>
    %get3A_335 = arith.constant 15712 : index
    %get3A_336 = tpu.vector_load %arg5[%get3A_335] {strides = array<i32>} : memref<15744xi32, #tpu.memory_space<vmem>>, vector<16xi32>,
    %sub3A_337 = vector.broadcast %mul3A_32 : i32 to vector<16xi32>
    %sub3A_338 = arith.subi %get3A_336, %sub3A_337 : vector<16xi32>
    %ge3A_339 = arith.constant 0 : i32
    %ge3A_340 = vector.broadcast %ge3A_339 : i32 to vector<16xi32>
    %ge3A_341 = arith.cmpi sge, %sub3A_338, %ge3A_340 : vector<16xi32>
    %lt3A_342 = arith.constant 128 : i32
    %lt3A_343 = vector.broadcast %lt3A_342 : i32 to vector<16xi32>
    %lt3A_344 = arith.cmpi slt, %sub3A_338, %lt3A_343 : vector<16xi32>
    %and3A_345 = arith.andi %ge3A_341, %lt3A_344 : vector<16xi1>
    %jit3A_346 = arith.constant 0 : i32
    %jit3A_347 = arith.constant 127 : i32
    %max3A_348 = vector.broadcast %jit3A_346 : i32 to vector<16xi32>
    %max3A_349 = arith.maxsi %max3A_348, %sub3A_338 : vector<16xi32>
    %min3A_350 = vector.broadcast %jit3A_347 : i32 to vector<16xi32>
    %min3A_351 = arith.minsi %min3A_350, %max3A_349 : vector<16xi32>
    %iota3A_352 = tpu.iota {dimensions = array<i32: 0>} : vector<16xi32>
    %add3A_353 = arith.constant 96 : i32
    %add3A_354 = vector.broadcast %add3A_353 : i32 to vector<16xi32>
    %add3A_355 = arith.addi %iota3A_352, %add3A_354 : vector<16xi32>
    tpu.vector_store_idx %arg6[%min3A_351, %add3A_355], %broadcast_in_dim3A_33 masked %and3A_345 : memref<128x128xf32, #tpu.memory_space<vmem>>[vector<16xi32>, vector<16xi32>], vector<16xf32>, vector<16xi1>
    %get3A_356 = arith.constant 15728 : index
    %get3A_357 = tpu.vector_load %arg5[%get3A_356] {strides = array<i32>} : memref<15744xi32, #tpu.memory_space<vmem>>, vector<16xi32>,
    %sub3A_358 = vector.broadcast %mul3A_32 : i32 to vector<16xi32>
    %sub3A_359 = arith.subi %get3A_357, %sub3A_358 : vector<16xi32>
    %ge3A_360 = arith.constant 0 : i32
    %ge3A_361 = vector.broadcast %ge3A_360 : i32 to vector<16xi32>
    %ge3A_362 = arith.cmpi sge, %sub3A_359, %ge3A_361 : vector<16xi32>
    %lt3A_363 = arith.constant 128 : i32
    %lt3A_364 = vector.broadcast %lt3A_363 : i32 to vector<16xi32>
    %lt3A_365 = arith.cmpi slt, %sub3A_359, %lt3A_364 : vector<16xi32>
    %and3A_366 = arith.andi %ge3A_362, %lt3A_365 : vector<16xi1>
    %jit3A_367 = arith.constant 0 : i32
    %jit3A_368 = arith.constant 127 : i32
    %max3A_369 = vector.broadcast %jit3A_367 : i32 to vector<16xi32>
    %max3A_370 = arith.maxsi %max3A_369, %sub3A_359 : vector<16xi32>
    %min3A_371 = vector.broadcast %jit3A_368 : i32 to vector<16xi32>
    %min3A_372 = arith.minsi %min3A_371, %max3A_370 : vector<16xi32>
    %iota3A_373 = tpu.iota {dimensions = array<i32: 0>} : vector<16xi32>
    %add3A_374 = arith.constant 112 : i32
    %add3A_375 = vector.broadcast %add3A_374 : i32 to vector<16xi32>
    %add3A_376 = arith.addi %iota3A_373, %add3A_375 : vector<16xi32>
    tpu.vector_store_idx %arg6[%min3A_372, %add3A_376], %broadcast_in_dim3A_33 masked %and3A_366 : memref<128x128xf32, #tpu.memory_space<vmem>>[vector<16xi32>, vector<16xi32>], vector<16xf32>, vector<16xi1>
    %dma_start3A = arith.constant 15616 : i32
    %dma_start3A_377 = tpu.memref_slice %arg4[%select_n3A, %mul3A_32, %dma_start3A] : memref<16x256x15744xf32, #tpu.memory_space<hbm>> -> memref<1x128x128xf32, #tpu.memory_space<hbm>>
    %dma_start3A_378 = tpu.memref_squeeze %dma_start3A_377 : memref<1x128x128xf32, #tpu.memory_space<hbm>> -> memref<128x128xf32, #tpu.memory_space<hbm>>
    %dma_start3A_379 = arith.constant 15616 : i32
    %dma_start3A_380 = tpu.memref_slice %arg4[%select_n3A, %mul3A_32, %dma_start3A_379] : memref<16x256x15744xf32, #tpu.memory_space<hbm>> -> memref<1x128x128xf32, #tpu.memory_space<hbm>>
    %dma_start3A_381 = tpu.memref_squeeze %dma_start3A_380 : memref<1x128x128xf32, #tpu.memory_space<hbm>> -> memref<128x128xf32, #tpu.memory_space<hbm>>
    tpu.enqueue_dma source(%arg6 : memref<128x128xf32, #tpu.memory_space<vmem>>) target(%dma_start3A_381 : memref<128x128xf32, #tpu.memory_space<hbm>>) target_semaphore(%arg8 : memref<!tpu.dma_semaphore, #tpu.memory_space<semaphore_mem>>)
    %dma_wait3A_382 = arith.constant 15616 : i32
    %dma_wait3A_383 = tpu.memref_slice %arg4[%select_n3A, %mul3A_32, %dma_wait3A_382] : memref<16x256x15744xf32, #tpu.memory_space<hbm>> -> memref<1x128x128xf32, #tpu.memory_space<hbm>>
    %dma_wait3A_384 = tpu.memref_squeeze %dma_wait3A_383 : memref<1x128x128xf32, #tpu.memory_space<hbm>> -> memref<128x128xf32, #tpu.memory_space<hbm>>
    %dma_wait3A_385 = arith.constant 15616 : i32
    %dma_wait3A_386 = tpu.memref_slice %arg4[%select_n3A, %mul3A_32, %dma_wait3A_385] : memref<16x256x15744xf32, #tpu.memory_space<hbm>> -> memref<1x128x128xf32, #tpu.memory_space<hbm>>
    %dma_wait3A_387 = tpu.memref_squeeze %dma_wait3A_386 : memref<1x128x128xf32, #tpu.memory_space<hbm>> -> memref<128x128xf32, #tpu.memory_space<hbm>>
    tpu.wait_dma2 semaphore(%arg8 : memref<!tpu.dma_semaphore, #tpu.memory_space<semaphore_mem>>) src(%arg6 : memref<128x128xf32, #tpu.memory_space<vmem>>) dst(%dma_wait3A_387 : memref<128x128xf32, #tpu.memory_space<hbm>>)
    %dma_wait3A_388 = arith.constant 15488 : i32
    %dma_wait3A_389 = tpu.memref_slice %arg4[%select_n3A, %mul3A_32, %dma_wait3A_388] : memref<16x256x15744xf32, #tpu.memory_space<hbm>> -> memref<1x128x128xf32, #tpu.memory_space<hbm>>
    %dma_wait3A_390 = tpu.memref_squeeze %dma_wait3A_389 : memref<1x128x128xf32, #tpu.memory_space<hbm>> -> memref<128x128xf32, #tpu.memory_space<hbm>>
    %dma_wait3A_391 = arith.constant 15488 : i32
    %dma_wait3A_392 = tpu.memref_slice %arg4[%select_n3A, %mul3A_32, %dma_wait3A_391] : memref<16x256x15744xf32, #tpu.memory_space<hbm>> -> memref<1x128x128xf32, #tpu.memory_space<hbm>>
    %dma_wait3A_393 = tpu.memref_squeeze %dma_wait3A_392 : memref<1x128x128xf32, #tpu.memory_space<hbm>> -> memref<128x128xf32, #tpu.memory_space<hbm>>
    tpu.wait_dma2 semaphore(%arg9 : memref<!tpu.dma_semaphore, #tpu.memory_space<semaphore_mem>>) src(%arg7 : memref<128x128xf32, #tpu.memory_space<vmem>>) dst(%dma_wait3A_393 : memref<128x128xf32, #tpu.memory_space<hbm>>)
    return
  }
}

module attributes {stable_mosaic.version = 14 : i64} {
  func.func @_codes_body(%arg0: i32, %arg1: memref<1x1x15744xf32, #tpu.memory_space<vmem>>, %arg2: memref<1x1x15744xi32, #tpu.memory_space<vmem>>) attributes {dimension_semantics = [#tpu.dimension_semantics<arbitrary>], iteration_bounds = array<i64: 16>, scalar_prefetch = 0 : i64, scratch_operands = 0 : i64, tpu.core_type = #tpu.core_type<tc>, window_params = [{transform_indices = @transform_0, window_bounds = array<i64: 1, 1, 15744>}, {transform_indices = @transform_1, window_bounds = array<i64: 1, 1, 15744>}]} {
    %get3A = arith.constant 0 : index
    %get3A_0 = arith.constant 0 : index
    %get3A_1 = arith.constant 0 : index
    %get3A_2 = vector.load %arg1[%get3A, %get3A_0, %get3A_1] : memref<1x1x15744xf32, #tpu.memory_space<vmem>>, vector<1x1x15744xf32>
    %get3A_3 = vector.shape_cast %get3A_2 : vector<1x1x15744xf32> to vector<1x15744xf32>
    %jit3A = arith.constant -1.000000e+00 : f32
    %jit3A_4 = arith.constant 1.000000e+00 : f32
    %max3A = vector.broadcast %jit3A : f32 to vector<1x15744xf32>
    %max3A_5 = arith.maximumf %max3A, %get3A_3 : vector<1x15744xf32>
    %min3A = vector.broadcast %jit3A_4 : f32 to vector<1x15744xf32>
    %min3A_6 = arith.minimumf %min3A, %max3A_5 : vector<1x15744xf32>
    %sign3A = tpu.bitcast %min3A_6 : vector<1x15744xf32> -> vector<1x15744xi32>
    %sign3A_7 = arith.constant -2147483648 : i32
    %sign3A_8 = vector.broadcast %sign3A_7 : i32 to vector<1x15744xi32>
    %sign3A_9 = arith.andi %sign3A, %sign3A_8 : vector<1x15744xi32>
    %sign3A_10 = arith.constant 1065353216 : i32
    %sign3A_11 = vector.broadcast %sign3A_10 : i32 to vector<1x15744xi32>
    %sign3A_12 = arith.ori %sign3A_11, %sign3A_9 : vector<1x15744xi32>
    %sign3A_13 = tpu.bitcast %sign3A_12 : vector<1x15744xi32> -> vector<1x15744xf32>
    %sign3A_14 = math.absf %min3A_6 : vector<1x15744xf32>
    %sign3A_15 = arith.constant 0.000000e+00 : f32
    %sign3A_16 = vector.broadcast %sign3A_15 : f32 to vector<1x15744xf32>
    %sign3A_17 = arith.cmpf ogt, %sign3A_14, %sign3A_16 : vector<1x15744xf32>
    %sign3A_18 = arith.select %sign3A_17, %sign3A_13, %min3A_6 : vector<1x15744xi1>, vector<1x15744xf32>
    %abs3A = math.absf %min3A_6 : vector<1x15744xf32>
    %mul3A = arith.constant 2.550000e+02 : f32
    %mul3A_19 = vector.broadcast %mul3A : f32 to vector<1x15744xf32>
    %mul3A_20 = arith.mulf %mul3A_19, %abs3A : vector<1x15744xf32>
    %log1p3A = math.log1p %mul3A_20 : vector<1x15744xf32>
    %mul3A_21 = arith.mulf %sign3A_18, %log1p3A : vector<1x15744xf32>
    %div3A = arith.constant 5.54517746 : f32
    %div3A_22 = vector.broadcast %div3A : f32 to vector<1x15744xf32>
    %div3A_23 = arith.divf %mul3A_21, %div3A_22 : vector<1x15744xf32>
    %add3A = arith.constant 1.000000e+00 : f32
    %add3A_24 = vector.broadcast %add3A : f32 to vector<1x15744xf32>
    %add3A_25 = arith.addf %div3A_23, %add3A_24 : vector<1x15744xf32>
    %mul3A_26 = arith.constant 5.000000e-01 : f32
    %mul3A_27 = vector.broadcast %mul3A_26 : f32 to vector<1x15744xf32>
    %mul3A_28 = arith.mulf %add3A_25, %mul3A_27 : vector<1x15744xf32>
    %mul3A_29 = arith.constant 2.550000e+02 : f32
    %mul3A_30 = vector.broadcast %mul3A_29 : f32 to vector<1x15744xf32>
    %mul3A_31 = arith.mulf %mul3A_28, %mul3A_30 : vector<1x15744xf32>
    %add3A_32 = arith.constant 5.000000e-01 : f32
    %add3A_33 = vector.broadcast %add3A_32 : f32 to vector<1x15744xf32>
    %add3A_34 = arith.addf %mul3A_31, %add3A_33 : vector<1x15744xf32>
    %floor3A = math.floor %add3A_34 : vector<1x15744xf32>
    %convert_element_type3A = arith.fptosi %floor3A : vector<1x15744xf32> to vector<1x15744xi32>
    %swap3A = arith.constant 0 : index
    %swap3A_35 = arith.constant 0 : index
    %swap3A_36 = arith.constant 0 : index
    %swap3A_37 = vector.load %arg2[%swap3A, %swap3A_35, %swap3A_36] : memref<1x1x15744xi32, #tpu.memory_space<vmem>>, vector<1x1x15744xi32>
    %swap3A_38 = vector.shape_cast %swap3A_37 : vector<1x1x15744xi32> to vector<1x15744xi32>
    %swap3A_39 = vector.shape_cast %convert_element_type3A : vector<1x15744xi32> to vector<1x1x15744xi32>
    tpu.vector_store %arg2[%swap3A, %swap3A_35, %swap3A_36], %swap3A_39 {strides = array<i32>} : memref<1x1x15744xi32, #tpu.memory_space<vmem>>, vector<1x1x15744xi32>,
    return
  }
  func.func @transform_0(%arg0: i32) -> (i32, i32, i32) {
    %c0_i32 = arith.constant 0 : i32
    %c0_i32_0 = arith.constant 0 : i32
    %c0_i32_1 = arith.constant 0 : i32
    return %arg0, %c0_i32, %c0_i32_0 : i32, i32, i32
  }
  func.func @transform_1(%arg0: i32) -> (i32, i32, i32) {
    %c0_i32 = arith.constant 0 : i32
    %c0_i32_0 = arith.constant 0 : i32
    %c0_i32_1 = arith.constant 0 : i32
    return %arg0, %c0_i32, %c0_i32_0 : i32, i32, i32
  }
}

module attributes {stable_mosaic.version = 14 : i64} {
  func.func @_mels_body(%arg0: i32, %arg1: memref<1x102x160xf32, #tpu.memory_space<vmem>>, %arg2: memref<3x160x257xf32, #tpu.memory_space<vmem>>, %arg3: memref<3x160x257xf32, #tpu.memory_space<vmem>>, %arg4: memref<80x257xf32, #tpu.memory_space<vmem>>, %arg5: memref<1x80x100xf32, #tpu.memory_space<vmem>>) attributes {dimension_semantics = [#tpu.dimension_semantics<arbitrary>], iteration_bounds = array<i64: 16>, scalar_prefetch = 0 : i64, scratch_operands = 0 : i64, tpu.core_type = #tpu.core_type<tc>, window_params = [{transform_indices = @transform_0, window_bounds = array<i64: 1, 102, 160>}, {pipeline_mode = #tpu.pipeline_mode<synchronous>, transform_indices = @transform_1, window_bounds = array<i64: 3, 160, 257>}, {pipeline_mode = #tpu.pipeline_mode<synchronous>, transform_indices = @transform_2, window_bounds = array<i64: 3, 160, 257>}, {pipeline_mode = #tpu.pipeline_mode<synchronous>, transform_indices = @transform_3, window_bounds = array<i64: 80, 257>}, {transform_indices = @transform_4, window_bounds = array<i64: 1, 80, 100>}]} {
    %get3A = arith.constant 0 : index
    %get3A_0 = arith.constant 0 : index
    %get3A_1 = arith.constant 0 : index
    %get3A_2 = vector.load %arg1[%get3A, %get3A_0, %get3A_1] : memref<1x102x160xf32, #tpu.memory_space<vmem>>, vector<1x102x160xf32>
    %get3A_3 = vector.shape_cast %get3A_2 : vector<1x102x160xf32> to vector<102x160xf32>
    %slice3A = vector.extract_strided_slice %get3A_3 {offsets = [0, 0], sizes = [100, 160], strides = [1, 1]} : vector<102x160xf32> to vector<100x160xf32>
    %slice3A_4 = vector.extract_strided_slice %get3A_3 {offsets = [1, 0], sizes = [100, 160], strides = [1, 1]} : vector<102x160xf32> to vector<100x160xf32>
    %slice3A_5 = vector.extract_strided_slice %get3A_3 {offsets = [2, 0], sizes = [100, 160], strides = [1, 1]} : vector<102x160xf32> to vector<100x160xf32>
    %get3A_6 = arith.constant 0 : index
    %get3A_7 = arith.constant 0 : index
    %get3A_8 = arith.constant 0 : index
    %get3A_9 = vector.load %arg2[%get3A_6, %get3A_7, %get3A_8] : memref<3x160x257xf32, #tpu.memory_space<vmem>>, vector<1x160x257xf32>
    %get3A_10 = vector.shape_cast %get3A_9 : vector<1x160x257xf32> to vector<160x257xf32>
    %dot_general3A = arith.constant dense<0.000000e+00> : vector<100x257xf32>
    %dot_general3A_11 = tpu.matmul %slice3A, %get3A_10, %dot_general3A {dimension_numbers = #tpu.dot_dimension_numbers<[1], [0], [0], [1], [0, 0, 1, 1], [], []>, transpose_lhs_hint = false} : vector<100x160xf32>, vector<160x257xf32>, vector<100x257xf32> -> vector<100x257xf32>
    %get3A_12 = arith.constant 1 : index
    %get3A_13 = arith.constant 0 : index
    %get3A_14 = arith.constant 0 : index
    %get3A_15 = vector.load %arg2[%get3A_12, %get3A_13, %get3A_14] : memref<3x160x257xf32, #tpu.memory_space<vmem>>, vector<1x160x257xf32>
    %get3A_16 = vector.shape_cast %get3A_15 : vector<1x160x257xf32> to vector<160x257xf32>
    %dot_general3A_17 = arith.constant dense<0.000000e+00> : vector<100x257xf32>
    %dot_general3A_18 = tpu.matmul %slice3A_4, %get3A_16, %dot_general3A_17 {dimension_numbers = #tpu.dot_dimension_numbers<[1], [0], [0], [1], [0, 0, 1, 1], [], []>, transpose_lhs_hint = false} : vector<100x160xf32>, vector<160x257xf32>, vector<100x257xf32> -> vector<100x257xf32>
    %add3A = arith.addf %dot_general3A_11, %dot_general3A_18 : vector<100x257xf32>
    %get3A_19 = arith.constant 2 : index
    %get3A_20 = arith.constant 0 : index
    %get3A_21 = arith.constant 0 : index
    %get3A_22 = vector.load %arg2[%get3A_19, %get3A_20, %get3A_21] : memref<3x160x257xf32, #tpu.memory_space<vmem>>, vector<1x160x257xf32>
    %get3A_23 = vector.shape_cast %get3A_22 : vector<1x160x257xf32> to vector<160x257xf32>
    %dot_general3A_24 = arith.constant dense<0.000000e+00> : vector<100x257xf32>
    %dot_general3A_25 = tpu.matmul %slice3A_5, %get3A_23, %dot_general3A_24 {dimension_numbers = #tpu.dot_dimension_numbers<[1], [0], [0], [1], [0, 0, 1, 1], [], []>, transpose_lhs_hint = false} : vector<100x160xf32>, vector<160x257xf32>, vector<100x257xf32> -> vector<100x257xf32>
    %add3A_26 = arith.addf %add3A, %dot_general3A_25 : vector<100x257xf32>
    %get3A_27 = arith.constant 0 : index
    %get3A_28 = arith.constant 0 : index
    %get3A_29 = arith.constant 0 : index
    %get3A_30 = vector.load %arg3[%get3A_27, %get3A_28, %get3A_29] : memref<3x160x257xf32, #tpu.memory_space<vmem>>, vector<1x160x257xf32>
    %get3A_31 = vector.shape_cast %get3A_30 : vector<1x160x257xf32> to vector<160x257xf32>
    %dot_general3A_32 = arith.constant dense<0.000000e+00> : vector<100x257xf32>
    %dot_general3A_33 = tpu.matmul %slice3A, %get3A_31, %dot_general3A_32 {dimension_numbers = #tpu.dot_dimension_numbers<[1], [0], [0], [1], [0, 0, 1, 1], [], []>, transpose_lhs_hint = false} : vector<100x160xf32>, vector<160x257xf32>, vector<100x257xf32> -> vector<100x257xf32>
    %get3A_34 = arith.constant 1 : index
    %get3A_35 = arith.constant 0 : index
    %get3A_36 = arith.constant 0 : index
    %get3A_37 = vector.load %arg3[%get3A_34, %get3A_35, %get3A_36] : memref<3x160x257xf32, #tpu.memory_space<vmem>>, vector<1x160x257xf32>
    %get3A_38 = vector.shape_cast %get3A_37 : vector<1x160x257xf32> to vector<160x257xf32>
    %dot_general3A_39 = arith.constant dense<0.000000e+00> : vector<100x257xf32>
    %dot_general3A_40 = tpu.matmul %slice3A_4, %get3A_38, %dot_general3A_39 {dimension_numbers = #tpu.dot_dimension_numbers<[1], [0], [0], [1], [0, 0, 1, 1], [], []>, transpose_lhs_hint = false} : vector<100x160xf32>, vector<160x257xf32>, vector<100x257xf32> -> vector<100x257xf32>
    %add3A_41 = arith.addf %dot_general3A_33, %dot_general3A_40 : vector<100x257xf32>
    %get3A_42 = arith.constant 2 : index
    %get3A_43 = arith.constant 0 : index
    %get3A_44 = arith.constant 0 : index
    %get3A_45 = vector.load %arg3[%get3A_42, %get3A_43, %get3A_44] : memref<3x160x257xf32, #tpu.memory_space<vmem>>, vector<1x160x257xf32>
    %get3A_46 = vector.shape_cast %get3A_45 : vector<1x160x257xf32> to vector<160x257xf32>
    %dot_general3A_47 = arith.constant dense<0.000000e+00> : vector<100x257xf32>
    %dot_general3A_48 = tpu.matmul %slice3A_5, %get3A_46, %dot_general3A_47 {dimension_numbers = #tpu.dot_dimension_numbers<[1], [0], [0], [1], [0, 0, 1, 1], [], []>, transpose_lhs_hint = false} : vector<100x160xf32>, vector<160x257xf32>, vector<100x257xf32> -> vector<100x257xf32>
    %add3A_49 = arith.addf %add3A_41, %dot_general3A_48 : vector<100x257xf32>
    %mul3A = arith.mulf %add3A_26, %add3A_26 : vector<100x257xf32>
    %mul3A_50 = arith.mulf %add3A_49, %add3A_49 : vector<100x257xf32>
    %add3A_51 = arith.addf %mul3A, %mul3A_50 : vector<100x257xf32>
    %get3A_52 = arith.constant 0 : index
    %get3A_53 = arith.constant 0 : index
    %get3A_54 = vector.load %arg4[%get3A_52, %get3A_53] : memref<80x257xf32, #tpu.memory_space<vmem>>, vector<80x257xf32>
    %dot_general3A_55 = arith.constant dense<0.000000e+00> : vector<80x100xf32>
    %dot_general3A_56 = tpu.matmul %get3A_54, %add3A_51, %dot_general3A_55 {dimension_numbers = #tpu.dot_dimension_numbers<[1], [1], [0], [0], [0, 0, 1, 0], [], []>, transpose_lhs_hint = false} : vector<80x257xf32>, vector<100x257xf32>, vector<80x100xf32> -> vector<80x100xf32>
    %add3A_57 = arith.constant 9.99999997E-7 : f32
    %add3A_58 = vector.broadcast %add3A_57 : f32 to vector<80x100xf32>
    %add3A_59 = arith.addf %dot_general3A_56, %add3A_58 : vector<80x100xf32>
    %log3A = math.log %add3A_59 : vector<80x100xf32>
    %swap3A = arith.constant 0 : index
    %swap3A_60 = arith.constant 0 : index
    %swap3A_61 = arith.constant 0 : index
    %swap3A_62 = vector.load %arg5[%swap3A, %swap3A_60, %swap3A_61] : memref<1x80x100xf32, #tpu.memory_space<vmem>>, vector<1x80x100xf32>
    %swap3A_63 = vector.shape_cast %swap3A_62 : vector<1x80x100xf32> to vector<80x100xf32>
    %swap3A_64 = vector.shape_cast %log3A : vector<80x100xf32> to vector<1x80x100xf32>
    tpu.vector_store %arg5[%swap3A, %swap3A_60, %swap3A_61], %swap3A_64 {strides = array<i32>} : memref<1x80x100xf32, #tpu.memory_space<vmem>>, vector<1x80x100xf32>,
    return
  }
  func.func @transform_0(%arg0: i32) -> (i32, i32, i32) {
    %c0_i32 = arith.constant 0 : i32
    %c0_i32_0 = arith.constant 0 : i32
    %c0_i32_1 = arith.constant 0 : i32
    return %arg0, %c0_i32, %c0_i32_0 : i32, i32, i32
  }
  func.func @transform_1(%arg0: i32) -> (i32, i32, i32) {
    %c0_i32 = arith.constant 0 : i32
    %c0_i32_0 = arith.constant 0 : i32
    %c0_i32_1 = arith.constant 0 : i32
    %c0_i32_2 = arith.constant 0 : i32
    return %c0_i32, %c0_i32_0, %c0_i32_1 : i32, i32, i32
  }
  func.func @transform_2(%arg0: i32) -> (i32, i32, i32) {
    %c0_i32 = arith.constant 0 : i32
    %c0_i32_0 = arith.constant 0 : i32
    %c0_i32_1 = arith.constant 0 : i32
    %c0_i32_2 = arith.constant 0 : i32
    return %c0_i32, %c0_i32_0, %c0_i32_1 : i32, i32, i32
  }
  func.func @transform_3(%arg0: i32) -> (i32, i32) {
    %c0_i32 = arith.constant 0 : i32
    %c0_i32_0 = arith.constant 0 : i32
    %c0_i32_1 = arith.constant 0 : i32
    return %c0_i32, %c0_i32_0 : i32, i32
  }
  func.func @transform_4(%arg0: i32) -> (i32, i32, i32) {
    %c0_i32 = arith.constant 0 : i32
    %c0_i32_0 = arith.constant 0 : i32
    %c0_i32_1 = arith.constant 0 : i32
    return %arg0, %c0_i32, %c0_i32_0 : i32, i32, i32
  }
}

</mosaic_0001>

<sc_bundles>
// kernel: kernel.5.cloned.1.call-start
scs
__scs_entry_jumppad:
0x0: {  	(pc) =	sbr.rel $0x88, $3  }
0x1: {  	(tag) =	ssettag $0x0;
	lr =	simm.s32 $0x1  }
0x2: {  	[smem:$0x3F9F] =	sst lr;
	_ =	strace $0xD0000000  }
0x3: {  	_ = 	snop  }
0x4: {  	_ = 	snop  }
0x5: {  	_ = 	snop  }
0x6: {  	_ = 	snop  }
0x7: {  	_ = 	snop  }
__scs_overlays_trampoline_lowered:
0x8: {  	[smem:$0x3FAE] =	sst s0  }
0x9: {  	[smem:$0x3FAF] =	sst s1  }
0xa: {  	[smem:$0x3FB0] =	sst s2  }
0xb: {  	[smem:$0x3FB1] =	sst s3  }
0xc: {  	[smem:$0x3FB2] =	sst s4  }
0xd: {  	[smem:$0x3FB3] =	sst s5  }
0xe: {  	[smem:$0x3FB4] =	sst s6  }
0xf: {  	[smem:$0x3FB5] =	sst s7  }
0x10: {  	[smem:$0x3FB6] =	sst s8  }
0x11: {  	[smem:$0x3FB7] =	sst s9;
	s0 =	simm.s32 @!p0 $0x0  }
0x12: {  	s1 =	sld [smem:$0x3F9D];
	s0 =	simm.s32 @p0 $0x1  }
0x13: {  	[smem:$0x3FB8] =	sst s0;
	s0 =	simm.s32 @!p1 $0x0  }
0x14: {  	s2 =	sld [smem:$0x3F9C];
	s0 =	simm.s32 @p1 $0x1  }
0x15: {  	[smem:$0x3FB9] =	sst s0;
	s0 =	simm.s32 @!p2 $0x0  }
0x16: {  	s3 =	sld [smem:$0x3FDB];
	s0 =	simm.s32 @p2 $0x1  }
0x17: {  	s4 =	simm.s32 $0x1BF5;
	[smem:$0x3FBB] =	sst s0  }
0x18: {  	s0 =	sld [smem:$0x3F9E];
	_ =	swait.ge [sflag:s4], $0x0  }
0x19: {  	s7 =	sld [smem:$0x3F9F]  }
0x1a: {  	s8 =	sadd.s32 $0xFFFFE003, lr  }
0x1b: {  	s9 =	sadd.s32 $0xFFFFFEF7, lr;
	s5 =	simm.s32 $0xFFFFFFFF;
	p2 =	slt.u32 s8, $0xFFFFF086  }
0x1c: {  	p1 =	slt.u32 s9, $0xF7A;
	s5 =	simm.s32 @!p2 $0x0  }
0x1d: {  	s5 =	simm.s32 @p1 $0x1;
	p0 =	seq.s32 s7, s2  }
0x1e: {  	s7 =	smul.u32 @!p0 $0xF7A, s2;
	p2 =	seq.s32 @!p0 s5, $0x0  }
0x1f: {  	s9 =	smul.u32 $0xF7A, s1;
	s8 =	simm.s32 @!p0 $0x1BF5;
	p2 =	por !p2, p0  }
0x20: {  	[sflag:s8] =	ssyncset.s32 @!p0 $0xFFFFF086;
	s6 =	sadd.s32 @!p0 s3, s7;
	s7 =	simm.s32 @!p0 $0x108  }
0x21: {  	s3 =	sadd.s32 s3, s9;
	s6 =	sadd.s32 @!p0 $0x88, s6;
	s7 =	simm.s32 @p2 $0x1082  }
0x22: {  	[simem:s7], [sflag:s8] =	dma.local @!p0 [hbm:s6], $0xF7A  }
0x23: {  	s9 =	sor.u32 $0xD0000000, s2;
	s6 =	simm.s32 $0x108;
	_ =	swait.ge @!p0 [sflag:s8], $0x0  }
0x24: {  	s3 =	sadd.s32 $0x88, s3;
	s6 =	simm.s32 @!p1 $0x1082;
	[sflag:s4] =	ssyncset.s32 $0xFFFFF086  }
0x25: {  	[simem:s6], [sflag:s4] =	dma.local [hbm:s3], $0xF7A  }
0x26: {  	[smem:$0x3F9F] =	sst s1;
	(tag) =	ssettag s2;
	_ =	strace s9  }
0x27: {  	s1 =	sld [smem:$0x3FAF]  }
0x28: {  	s2 =	sld [smem:$0x3FB0]  }
0x29: {  	s4 =	sld [smem:$0x3FB2]  }
0x2a: {  	p0 =	seq.s32 s5, $0x0;
	s5 =	sld [smem:$0x3FB3]  }
0x2b: {  	s6 =	sld [smem:$0x3FB4]  }
0x2c: {  	s7 =	sld [smem:$0x3FB5]  }
0x2d: {  	s3 =	simm.s32 $0x108;
	s8 =	sld [smem:$0x3FB6]  }
0x2e: {  	s3 =	simm.s32 @!p0 $0x1082;
	s9 =	sld [smem:$0x3FB7]  }
0x2f: {  	lr =	sadd.s32 s0, s3;
	s0 =	sld [smem:$0x3FAE]  }
0x30: {  	s3 =	sld [smem:$0x3FB1]  }
0x31: {  	[smem:$0x3FBA] =	sst s10  }
0x32: {  	s10 =	sld [smem:$0x3FB8];
	_ =	sdelay $0x3  }
0x33: {  	p0 =	seq.s32 s10, $0x1;
	s10 =	sld [smem:$0x3FBA];
	_ =	sdelay $0x3  }
0x34: {  	[smem:$0x3FBA] =	sst s10  }
0x35: {  	s10 =	sld [smem:$0x3FB9];
	_ =	sdelay $0x3  }
0x36: {  	p1 =	seq.s32 s10, $0x1;
	s10 =	sld [smem:$0x3FBA];
	_ =	sdelay $0x3  }
0x37: {  	[smem:$0x3FBA] =	sst s10  }
0x38: {  	s10 =	sld [smem:$0x3FBB]  }
0x39: {  	_ = 	snop;
	(pc) =	sbr.ind lr, $3  }
0x3a: {  	_ = 	snop  }
0x3b: {  	_ = 	snop  }
0x3c: {  	p2 =	seq.s32 s10, $0x1;
	s10 =	sld [smem:$0x3FBA]  }
0x3d: {  	_ =	shalt  }
0x3e: {  	_ =	shalt  }
0x3f: {  	_ =	shalt  }
0x40: {  	_ =	shalt  }
0x41: {  	_ =	shalt  }
0x42: {  	_ =	shalt  }
0x43: {  	_ =	shalt  }
0x44: {  	_ =	shalt  }
0x45: {  	_ =	shalt  }
0x46: {  	_ =	shalt  }
0x47: {  	_ =	shalt  }
0x48: {  	_ =	shalt  }
0x49: {  	_ =	shalt  }
0x4a: {  	_ =	shalt  }
0x4b: {  	_ =	shalt  }
0x4c: {  	_ =	shalt  }
0x4d: {  	_ =	shalt  }
0x4e: {  	_ =	shalt  }
0x4f: {  	_ =	shalt  }
0x50: {  	_ =	shalt  }
0x51: {  	_ =	shalt  }
0x52: {  	_ =	shalt  }
0x53: {  	_ =	shalt  }
0x54: {  	_ =	shalt  }
0x55: {  	_ =	shalt  }
0x56: {  	_ =	shalt  }
0x57: {  	_ =	shalt  }
0x58: {  	_ =	shalt  }
0x59: {  	_ =	shalt  }
0x5a: {  	_ =	shalt  }
0x5b: {  	_ =	shalt  }
0x5c: {  	_ =	shalt  }
0x5d: {  	_ =	shalt  }
0x5e: {  	_ =	shalt  }
0x5f: {  	_ =	shalt  }
0x60: {  	_ =	shalt  }
0x61: {  	_ =	shalt  }
0x62: {  	_ =	shalt  }
0x63: {  	_ =	shalt  }
0x64: {  	_ =	shalt  }
0x65: {  	_ =	shalt  }
0x66: {  	_ =	shalt  }
0x67: {  	_ =	shalt  }
0x68: {  	_ =	shalt  }
0x69: {  	_ =	shalt  }
0x6a: {  	_ =	shalt  }
0x6b: {  	_ =	shalt  }
0x6c: {  	_ =	shalt  }
0x6d: {  	_ =	shalt  }
0x6e: {  	_ =	shalt  }
0x6f: {  	_ =	shalt  }
0x70: {  	_ =	shalt  }
0x71: {  	_ =	shalt  }
0x72: {  	_ =	shalt  }
0x73: {  	_ =	shalt  }
0x74: {  	_ =	shalt  }
0x75: {  	_ =	shalt  }
0x76: {  	_ =	shalt  }
0x77: {  	_ =	shalt  }
0x78: {  	_ =	shalt  }
0x79: {  	_ =	shalt  }
0x7a: {  	_ =	shalt  }
0x7b: {  	_ =	shalt  }
0x7c: {  	_ =	shalt  }
0x7d: {  	_ =	shalt  }
0x7e: {  	_ =	shalt  }
0x7f: {  	_ =	shalt  }
0x80: {  	_ =	shalt  }
0x81: {  	_ =	shalt  }
0x82: {  	_ =	shalt  }
0x83: {  	_ =	shalt  }
0x84: {  	_ =	shalt  }
0x85: {  	_ =	shalt  }
0x86: {  	_ =	shalt  }
0x87: {  	_ =	shalt  }
.Lfunc_end0:
.L_simem_size_0:
called_computation_lowered:
.L_overlay_start_0:
0x88: {  	s2 =	sld [smem:$0x3FD9]  }
0x89: {  	s3 =	sld [smem:$0x3FFE];
	_ =	sdelay $0x1  }
0x8a: {  	s1 =	srdreg.scid  }
0x8b: {  	s0 =	sand.u32 $0x1, s1  }
0x8c: {  	s14 =	sshll.u32 s0, $0xA;
	s2 =	sadd.s32 s3, s2  }
0x8d: {  	s2 =	sadd.s32 s2, s14  }
0x8e: {  	[smem:$0x3FC6] =	sst s2  }
0x8f: {  	_ = 	snop  }
0x90: {  	s2 =	sld [smem:$0x3FD0];
	_ =	sdelay $0x2  }
0x91: {  	s15 =	simm.s32 $0xA;
	s4 =	simm.s32 $0x10  }
0x92: {  	[smem:s4], [sflag:s15] =	dma.local [hbm:s2], $0x1  }
0x93: {  	_ =	swait.eq [sflag:s15], $0x1  }
0x94: {  	[sflag:s15] =	ssyncset.done $0x0  }
0x95: {  	[sflag:s15] =	ssyncadd.s32 $0xFFFFFFFF  }
0x96: {  	s16 =	sld [smem:$0x12];
	(tm) =	ssettm $0x1  }
0x97: {  	s17 =	sld [smem:$0x3FFB];
	_ =	sdelay $0x3  }
0x98: {  	_ =	strace s17  }
0x99: {  	s3 =	sld [smem:$0x3FFC];
	_ =	sdelay $0x3  }
0x9a: {  	_ =	strace s3  }
0x9b: {  	s3 =	sld [smem:$0x3FFD];
	_ =	sdelay $0x3  }
0x9c: {  	_ =	strace s3  }
0x9d: {  	_ =	strace $0x8FFFFFFF  }
0x9e: {  	s18 =	sld [smem:$0x3FDB];
	_ =	sdelay $0x1  }
0x9f: {  	s19 =	simm.s32 $_scs_section_size  }
0xa0: {  	s5 =	simm.s32 $_size__tile_overlayer_lowered;
	s6 =	simm.s32 $_tile_overlayer_lowered  }
0xa1: {  	s22 =	simm.s32 $0x1BFF;
	s21 =	sshll.u32 s6, $0x1;
	s3 =	sadd.s32 s19, s18  }
0xa2: {  	s7 =	simm.s32 $0x0;
	s20 =	sshll.u32 s5, $0x1;
	s5 =	sadd.s32 s21, s3  }
0xa3: {  	[timem:s7], [sflag:s22] =	dma.local [hbm:s5], s20  }
0xa4: {  	_ =	swait.ge [sflag:s22], s20  }
0xa5: {  	s4 =	ssub.s32 $0x0, s20;
	[sflag:s22] =	ssyncset.done $0x0  }
0xa6: {  	[sflag:s22] =	ssyncadd.s32 s4;
	_ =	sdelay $0x1  }
0xa7: {  	s23 =	simm.s32 $0x1B8B  }
0xa8: {  	_ =	swait.ge [sflag:s23], $0x1  }
0xa9: {  	[sflag:s23] =	ssyncset.done $0x0  }
0xaa: {  	s25 =	simm.s32 $0x1B8E;
	s24 =	sld [smem:$0x3FFE];
	[sflag:s23] =	ssyncadd.s32 $0xFFFFFFFF  }
0xab: {  	s26 =	simm.s32 $execute0_lowered;
	[smem:$0x3FD2] =	sst s25  }
0xac: {  	s5 =	sshll.u32 s26, $0x1;
	_ =	strace $0x80000046;
	[dreg:$0x1] =	wrdreg $0xFFFFFFFF  }
0xad: {  	s28 =	simm.s32 $_size_execute0_lowered;
	s3 =	sadd.s32 s3, s5;
	[dreg:$0x0] =	wrdreg $0x0  }
0xae: {  	s5 =	sshll.u32 s28, $0x1;
	[dreg:$0x2] =	wrdreg s3  }
0xaf: {  	[dreg:$0x3] =	wrdreg s5  }
0xb0: {  	[dreg:$0x4] =	wrdreg $0xC0  }
0xb1: {  	_ =	task [dreg:s7], $0x5FFFF  }
0xb2: {  	[dreg:$0x1] =	wrdreg $0xFFFFFFFF  }
0xb3: {  	[dreg:$0x0] =	wrdreg $0x60  }
0xb4: {  	[dreg:$0x2] =	wrdreg s24  }
0xb5: {  	[dreg:$0x3] =	wrdreg s16  }
0xb6: {  	[dreg:$0x4] =	wrdreg $0x9  }
0xb7: {  	_ =	task.clear_ibuf [dreg:s7], $0x5FFFF;
	_ =	strace $0x90000046  }
0xb8: {  	s29 =	simm.s32 $0x9;
	_ =	strace $0x80000048  }
0xb9: {  	_ =	swait.ge [sflag:s29], $0x1  }
0xba: {  	[sflag:s29] =	ssyncadd.s32 $0xFFFFFFFF  }
0xbb: {  	_ =	strace $0x90000048  }
0xbc: {  	_ =	sfence  }
0xbd: {  	s30 =	sld [smem:$0x0];
	_ =	sdelay $0x2  }
0xbe: {  	s31 =	sshll.u32 s1, $0xD;
	s1 =	sshrl.u32 s1, $0x2  }
0xbf: {  	s3 =	sand.u32 $0x4000, s31;
	s1 =	sadd.s32 s1, s30  }
0xc0: {  	s0 =	sor.u32 s3, s0;
	s1 =	sshll.u32 s1, $0x11  }
0xc1: {  	s0 =	sor.u32 s1, s0  }
0xc2: {  	s0 =	sadd.s32 $0x8F2B, s0  }
0xc3: {  	[sflag:s0] =	ssyncadd.remote.s32 $0x1  }
0xc4: {  	_ =	sfence.sel $0xFFFF  }
0xc5: {  	[dreg:$0x0] =	wrdreg $0xFFFFFFFF;
	(pc) =	sbr.abs _section_cstart, $3  }
0xc6: {  	[dreg:$0x1] =	wrdreg $0xFFFFFFFF  }
0xc7: {  	_ =	task.clear_ibuf [dreg:s7], $0x2FFFF;
	_ =	strace $0x9FFFFFFF  }
0xc8: {  	(tm) =	ssettm $0x7FFFFFFF  }
0xc9: {  	_ =	shalt  }
tec
execute0_lowered:
.L_overlay_start_1:
0x0: {  	(tag) =	ssettag $0x1  }
0x1: {  	s1 =	srdreg.scid  }
0x2: {  	s0 =	stileid.u32;
	s6 =	rddreg [dreg:$0x0];
	s7 =	sand.u32 $0x1, s1  }
0x3: {  	s2 =	rddreg [dreg:$0x1];
	s3 =	simm.s32 $0x0;
	s1 =	sor.u32 s7, s0  }
0x4: {  	s13 =	simm.s32 $0x3;
	p1 =	seq.s32 s7, $0x1;
	p0 =	seq.s32 s1, $0x0  }
0x5: {  	s14 =	simm.s32 $0x3D80;
	s15 =	simm.s32 $0x7D80;
	p0 =	por !p0, !p1  }
0x6: {  	s16 =	simm.s32 $0x1EC00;
	s1 =	simm.s32 $0x1;
	p0 =	por !p0, !p0  }
0x7: {  	s17 =	simm.s32 $0x2;
	s18 =	simm.s32 $0x0;
	s1 =	simm.s32 @!p0 $0x0  }
0x8: {  	[smem:$0x7FF] =	sst s3;
	s28 =	smul.u32 $0x1EC000, s7;
	s4 =	ssub.s32 s0, s1  }
0x9: {  	s10 =	ssub.s32 $0x2, s7;
	s30 =	sshll.u32 s7, $0x7;
	s5 =	sshrl.u32 s4, $0x3  }
0xa: {  	s12 =	sshrl.u32 s10, $0x1;
	s8 =	sshll.u32 s4, $0x7;
	s5 =	smul.u32 $0x1EC00, s5  }
0xb: {  	s29 =	ssub.s32 s10, s12;
	s12 =	simm.s32 $0x400;
	s8 =	sand.u32 $0x380, s8  }
0xc: {  	s1 =	rddreg [dreg:$0x2];
	s9 =	smul.u32 $0x3D8000, s4;
	s5 =	sor.u32 s8, s5  }
.Ltmp0:
0xd: {  	_ =	strace $0x80000047;
	s5 =	sshrl.u32 s5, $0x3;
	(pc) =	sbr.rel .LBB2_1-.Ltmp0, $4  }
0xe: {  	v1 =	vlaneseq.u32;
	v2 =	vimm.f32 $1.000000000e+00;
	s4 =	simm.s32 $0x1;
	s11 =	sadd.s32 s5, s6;
	s5 =	sadd.s32 s28, s9  }
0xf: {  	v10 =	vimm.f32 $0.0e+00;
	v3 =	vor.u32 $0x10, v1;
	v4 =	vor.u32 $0x20, v1;
	s6 =	sadd.s32 $0x8C00, s6;
	s9 =	smax.u32 s29, $0x1;
	s8 =	sadd.s32 $0x1E800, s5  }
0x10: {  	v5 =	vor.u32 $0x30, v1;
	v6 =	vor.u32 $0x40, v1;
	v7 =	vor.u32 $0x50, v1;
	s7 =	sadd.s32 $0x1000, s11;
	s31 =	sshrl.u32 s5, $0x3;
	s8 =	sshrl.u32 s8, $0x3  }
0x11: {  	v8 =	vor.u32 $0x60, v1;
	v9 =	vor.u32 $0x70, v1;
	v0 =	vmov s30;
	s11 =	simm.s32 $0x80;
	s10 =	sor.u32 $0x80, s31;
	s8 =	sadd.s32 s2, s8  }
.LBB2_7:
0x12: {  	_ =	swait.ge [sflag:s4], $0x4000  }
0x13: {  	[sflag:s4] =	ssyncset.done $0x0  }
0x14: {  	[sflag:s4] =	ssyncadd.s32 $0xFFFFC000  }
0x15: {  	v11 =	vld [tilespmem:$0x3C00];
	_ =	sdelay $0x4  }
0x16: {  	v11 =	vsub.s32 v11, v0  }
0x17: {  	vm0 =	vgt.s32 v11, $0x0  }
0x18: {  	v12 =	vnsel vm0, $0x0, v11  }
0x19: {  	v12 =	vmin.u32 v12, $0x7F  }
0x1a: {  	vm9 =	vlt.u32 v11, $0x80;
	v11 =	vshll.u32 v12, $0x7  }
0x1b: {  	v11 =	vor.u32 v1, v11;
	_ =	sdelay $0x4  }
0x1c: {  	[tilespmem:v11+s14+$0x0] =	vst.idx.msk vm9, v10  }
0x1d: {  	v11 =	vld [tilespmem:$0x3C10];
	_ =	sdelay $0x4  }
0x1e: {  	v11 =	vsub.s32 v11, v0  }
0x1f: {  	vm10 =	vgt.s32 v11, $0x0  }
0x20: {  	v49 =	vnsel vm10, $0x0, v11  }
0x21: {  	v12 =	vmin.u32 v49, $0x7F  }
0x22: {  	vm11 =	vlt.u32 v11, $0x80;
	v11 =	vshll.u32 v12, $0x7  }
0x23: {  	v11 =	vor.u32 v3, v11;
	_ =	sdelay $0x4  }
0x24: {  	[tilespmem:v11+s14+$0x0] =	vst.idx.msk vm11, v10  }
0x25: {  	v11 =	vld [tilespmem:$0x3C20];
	_ =	sdelay $0x4  }
0x26: {  	v11 =	vsub.s32 v11, v0  }
0x27: {  	vm12 =	vgt.s32 v11, $0x0  }
0x28: {  	v50 =	vnsel vm12, $0x0, v11  }
0x29: {  	v12 =	vmin.u32 v50, $0x7F  }
0x2a: {  	vm13 =	vlt.u32 v11, $0x80;
	v11 =	vshll.u32 v12, $0x7  }
0x2b: {  	v11 =	vor.u32 v4, v11;
	_ =	sdelay $0x4  }
0x2c: {  	[tilespmem:v11+s14+$0x0] =	vst.idx.msk vm13, v10  }
0x2d: {  	v11 =	vld [tilespmem:$0x3C30];
	_ =	sdelay $0x4  }
0x2e: {  	v11 =	vsub.s32 v11, v0  }
0x2f: {  	vm14 =	vgt.s32 v11, $0x0  }
0x30: {  	v51 =	vnsel vm14, $0x0, v11  }
0x31: {  	v12 =	vmin.u32 v51, $0x7F  }
0x32: {  	vm15 =	vlt.u32 v11, $0x80;
	v11 =	vshll.u32 v12, $0x7  }
0x33: {  	v11 =	vor.u32 v5, v11;
	_ =	sdelay $0x4  }
0x34: {  	[tilespmem:v11+s14+$0x0] =	vst.idx.msk vm15, v10  }
0x35: {  	v11 =	vld [tilespmem:$0x3C40];
	_ =	sdelay $0x4  }
0x36: {  	v11 =	vsub.s32 v11, v0  }
0x37: {  	vm4 =	vgt.s32 v11, $0x0  }
0x38: {  	v52 =	vnsel vm4, $0x0, v11  }
0x39: {  	v12 =	vmin.u32 v52, $0x7F  }
0x3a: {  	vm5 =	vlt.u32 v11, $0x80;
	v11 =	vshll.u32 v12, $0x7  }
0x3b: {  	v11 =	vor.u32 v6, v11;
	_ =	sdelay $0x4  }
0x3c: {  	[tilespmem:v11+s14+$0x0] =	vst.idx.msk vm5, v10  }
0x3d: {  	v11 =	vld [tilespmem:$0x3C50];
	_ =	sdelay $0x4  }
0x3e: {  	v11 =	vsub.s32 v11, v0  }
0x3f: {  	vm6 =	vgt.s32 v11, $0x0  }
0x40: {  	v53 =	vnsel vm6, $0x0, v11  }
0x41: {  	v12 =	vmin.u32 v53, $0x7F  }
0x42: {  	vm7 =	vlt.u32 v11, $0x80;
	v11 =	vshll.u32 v12, $0x7  }
0x43: {  	v11 =	vor.u32 v7, v11;
	_ =	sdelay $0x4  }
0x44: {  	[tilespmem:v11+s14+$0x0] =	vst.idx.msk vm7, v10  }
0x45: {  	v11 =	vld [tilespmem:$0x3C60];
	_ =	sdelay $0x4  }
0x46: {  	v11 =	vsub.s32 v11, v0  }
0x47: {  	vm8 =	vgt.s32 v11, $0x0  }
0x48: {  	v54 =	vnsel vm8, $0x0, v11  }
0x49: {  	v12 =	vmin.u32 v54, $0x7F  }
0x4a: {  	vm9 =	vlt.u32 v11, $0x80;
	v11 =	vshll.u32 v12, $0x7  }
0x4b: {  	v11 =	vor.u32 v8, v11;
	_ =	sdelay $0x4  }
0x4c: {  	[tilespmem:v11+s14+$0x0] =	vst.idx.msk vm9, v10  }
0x4d: {  	v11 =	vld [tilespmem:$0x3C70];
	_ =	sdelay $0x4  }
0x4e: {  	v11 =	vsub.s32 v11, v0  }
0x4f: {  	vm10 =	vgt.s32 v11, $0x0  }
0x50: {  	v55 =	vnsel vm10, $0x0, v11  }
0x51: {  	v12 =	vmin.u32 v55, $0x7F  }
0x52: {  	vm11 =	vlt.u32 v11, $0x80;
	v11 =	vshll.u32 v12, $0x7  }
0x53: {  	v11 =	vor.u32 v9, v11;
	_ =	sdelay $0x4  }
0x54: {  	[tilespmem:v11+s14+$0x0] =	vst.idx.msk vm11, v10  }
0x55: {  	v11 =	vld [tilespmem:$0x3D00];
	_ =	sdelay $0x4  }
0x56: {  	v11 =	vsub.s32 v11, v0  }
0x57: {  	vm12 =	vgt.s32 v11, $0x0  }
0x58: {  	v56 =	vnsel vm12, $0x0, v11  }
0x59: {  	v12 =	vmin.u32 v56, $0x7F  }
0x5a: {  	vm13 =	vlt.u32 v11, $0x80;
	v11 =	vshll.u32 v12, $0x7  }
0x5b: {  	v11 =	vor.u32 v1, v11;
	_ =	sdelay $0x4  }
0x5c: {  	[tilespmem:v11+s14+$0x0] =	vst.idx.msk vm13, v2  }
0x5d: {  	v11 =	vld [tilespmem:$0x3D10];
	_ =	sdelay $0x4  }
0x5e: {  	v11 =	vsub.s32 v11, v0  }
0x5f: {  	vm14 =	vgt.s32 v11, $0x0  }
0x60: {  	v57 =	vnsel vm14, $0x0, v11  }
0x61: {  	v12 =	vmin.u32 v57, $0x7F  }
0x62: {  	vm15 =	vlt.u32 v11, $0x80;
	v11 =	vshll.u32 v12, $0x7  }
0x63: {  	v11 =	vor.u32 v3, v11;
	_ =	sdelay $0x4  }
0x64: {  	[tilespmem:v11+s14+$0x0] =	vst.idx.msk vm15, v2  }
0x65: {  	v11 =	vld [tilespmem:$0x3D20];
	_ =	sdelay $0x4  }
0x66: {  	v11 =	vsub.s32 v11, v0  }
0x67: {  	vm4 =	vgt.s32 v11, $0x0  }
0x68: {  	v58 =	vnsel vm4, $0x0, v11  }
0x69: {  	v12 =	vmin.u32 v58, $0x7F  }
0x6a: {  	vm5 =	vlt.u32 v11, $0x80;
	v11 =	vshll.u32 v12, $0x7  }
0x6b: {  	v11 =	vor.u32 v4, v11;
	_ =	sdelay $0x4  }
0x6c: {  	[tilespmem:v11+s14+$0x0] =	vst.idx.msk vm5, v2  }
0x6d: {  	v11 =	vld [tilespmem:$0x3D30];
	_ =	sdelay $0x4  }
0x6e: {  	v11 =	vsub.s32 v11, v0  }
0x6f: {  	vm6 =	vgt.s32 v11, $0x0  }
0x70: {  	v59 =	vnsel vm6, $0x0, v11  }
0x71: {  	v12 =	vmin.u32 v59, $0x7F  }
0x72: {  	vm7 =	vlt.u32 v11, $0x80;
	v11 =	vshll.u32 v12, $0x7  }
0x73: {  	v11 =	vor.u32 v5, v11;
	_ =	sdelay $0x4  }
0x74: {  	[tilespmem:v11+s14+$0x0] =	vst.idx.msk vm7, v2  }
0x75: {  	v11 =	vld [tilespmem:$0x3D40];
	_ =	sdelay $0x4  }
0x76: {  	v11 =	vsub.s32 v11, v0  }
0x77: {  	vm8 =	vgt.s32 v11, $0x0  }
0x78: {  	v60 =	vnsel vm8, $0x0, v11  }
0x79: {  	v12 =	vmin.u32 v60, $0x7F  }
0x7a: {  	vm9 =	vlt.u32 v11, $0x80;
	v11 =	vshll.u32 v12, $0x7  }
0x7b: {  	v11 =	vor.u32 v6, v11;
	_ =	sdelay $0x4  }
0x7c: {  	[tilespmem:v11+s14+$0x0] =	vst.idx.msk vm9, v2  }
0x7d: {  	v11 =	vld [tilespmem:$0x3D50];
	_ =	sdelay $0x4  }
0x7e: {  	v11 =	vsub.s32 v11, v0  }
0x7f: {  	vm10 =	vgt.s32 v11, $0x0  }
0x80: {  	v61 =	vnsel vm10, $0x0, v11  }
0x81: {  	v12 =	vmin.u32 v61, $0x7F  }
0x82: {  	vm11 =	vlt.u32 v11, $0x80;
	v11 =	vshll.u32 v12, $0x7  }
0x83: {  	v11 =	vor.u32 v7, v11;
	_ =	sdelay $0x4  }
0x84: {  	[tilespmem:v11+s14+$0x0] =	vst.idx.msk vm11, v2  }
0x85: {  	v11 =	vld [tilespmem:$0x3D60];
	_ =	sdelay $0x4  }
0x86: {  	v11 =	vsub.s32 v11, v0  }
0x87: {  	vm12 =	vgt.s32 v11, $0x0  }
0x88: {  	v62 =	vnsel vm12, $0x0, v11  }
0x89: {  	v12 =	vmin.u32 v62, $0x7F  }
0x8a: {  	vm13 =	vlt.u32 v11, $0x80;
	v11 =	vshll.u32 v12, $0x7  }
0x8b: {  	v11 =	vor.u32 v8, v11;
	_ =	sdelay $0x4  }
0x8c: {  	[tilespmem:v11+s14+$0x0] =	vst.idx.msk vm13, v2  }
0x8d: {  	v11 =	vld [tilespmem:$0x3D70];
	_ =	sdelay $0x4  }
0x8e: {  	v11 =	vsub.s32 v11, v0  }
0x8f: {  	vm14 =	vgt.s32 v11, $0x0  }
0x90: {  	v63 =	vnsel vm14, $0x0, v11  }
0x91: {  	v12 =	vmin.u32 v63, $0x7F  }
0x92: {  	vm15 =	vlt.u32 v11, $0x80;
	v11 =	vshll.u32 v12, $0x7  }
0x93: {  	v11 =	vor.u32 v9, v11;
	_ =	sdelay $0x4  }
0x94: {  	s18 =	sadd.s32 $0x1, s18;
	[tilespmem:v11+s14+$0x0] =	vst.idx.msk vm15, v2  }
0x95: {  	[hbm4b:s8+s12] =	stream.strided.scatter [tilespmem:s14], [sflag:$0x1], $0x4000, s16, s12, $0x38;
	[tilespmem:$0xBD80] =	vst v63  }
0x96: {  	p0 =	sne.s32 s18, s9;
	_ =	swait.ge [sflag:s4], $0x4000  }
.Ltmp1:
0x97: {  	[sflag:s4] =	ssyncset.done $0x0;
	(pc) =	sbr.rel @!p0 .LBB2_8-.Ltmp1, $4  }
0x98: {  	[sflag:s4] =	ssyncadd.s32 $0xFFFFC000  }
0x99: {  	_ =	swait.ge [sflag:s17], $0x4000  }
0x9a: {  	[sflag:s17] =	ssyncset.done $0x0  }
0x9b: {  	[sflag:s17] =	ssyncadd.s32 $0xFFFFC000  }
.LBB2_1:
0x9c: {  	[tilespmem:s3], [sflag:$0x3] =	stream.strided.gather [hbm4b:s7+s11], $0x3D80, s12, s11, $0x38;
	[tilespmem:$0xBD80] =	vst v63  }
0x9d: {  	_ =	swait.ge [sflag:s13], $0x3D80  }
0x9e: {  	[sflag:s13] =	ssyncset.done $0x0  }
0x9f: {  	[sflag:s13] =	ssyncadd.s32 $0xFFFFC280  }
0xa0: {  	[tilespmem:s14], [sflag:$0x3] =	stream.linear.gather [hbm4b:s6+s3], $0x4000, $0x38;
	[tilespmem:$0xBD80] =	vst v63  }
0xa1: {  	_ =	swait.ge [sflag:s13], $0x4000  }
0xa2: {  	[sflag:s13] =	ssyncset.done $0x0  }
.Ltmp2:
0xa3: {  	[sflag:s13] =	ssyncadd.s32 $0xFFFFC000;
	(pc) =	sbr.rel .LBB2_2-.Ltmp2, $4  }
0xa4: {  	[tilespmem:s15], [sflag:$0x3] =	stream.linear.gather [hbm4b:s6+s3], $0x4000, $0x38;
	[tilespmem:$0xBD80] =	vst v63  }
0xa5: {  	_ =	swait.ge [sflag:s13], $0x4000  }
0xa6: {  	s19 =	smov.u32 s5;
	[sflag:s13] =	ssyncset.done $0x0  }
0xa7: {  	s20 =	simm.s32 $0x0;
	s21 =	simm.s32 $0x0;
	[sflag:s13] =	ssyncadd.s32 $0xFFFFC000  }
.LBB2_6:
0xa8: {  	v11 =	vld [tilespmem:s20+$0x80];
	_ =	sdelay $0x4  }
0xa9: {  	v11 =	vsub.s32 v11, v0  }
0xaa: {  	vm0 =	vgt.s32 v11, $0x0  }
0xab: {  	v12 =	vnsel vm0, $0x0, v11  }
0xac: {  	v12 =	vmin.u32 v12, $0x7F  }
0xad: {  	vm13 =	vlt.u32 v11, $0x80;
	v11 =	vshll.u32 v12, $0x7  }
0xae: {  	v11 =	vor.u32 v1, v11;
	_ =	sdelay $0x4  }
0xaf: {  	[tilespmem:v11+s15+$0x0] =	vst.idx.msk vm13, v2  }
0xb0: {  	v11 =	vld [tilespmem:s20+$0x90];
	_ =	sdelay $0x4  }
0xb1: {  	v11 =	vsub.s32 v11, v0  }
0xb2: {  	vm14 =	vgt.s32 v11, $0x0  }
0xb3: {  	v57 =	vnsel vm14, $0x0, v11  }
0xb4: {  	v12 =	vmin.u32 v57, $0x7F  }
0xb5: {  	vm15 =	vlt.u32 v11, $0x80;
	v11 =	vshll.u32 v12, $0x7  }
0xb6: {  	v11 =	vor.u32 v3, v11;
	_ =	sdelay $0x4  }
0xb7: {  	[tilespmem:v11+s15+$0x0] =	vst.idx.msk vm15, v2  }
0xb8: {  	v11 =	vld [tilespmem:s20+$0xA0];
	_ =	sdelay $0x4  }
0xb9: {  	v11 =	vsub.s32 v11, v0  }
0xba: {  	vm4 =	vgt.s32 v11, $0x0  }
0xbb: {  	v58 =	vnsel vm4, $0x0, v11  }
0xbc: {  	v12 =	vmin.u32 v58, $0x7F  }
0xbd: {  	vm5 =	vlt.u32 v11, $0x80;
	v11 =	vshll.u32 v12, $0x7  }
0xbe: {  	v11 =	vor.u32 v4, v11;
	_ =	sdelay $0x4  }
0xbf: {  	[tilespmem:v11+s15+$0x0] =	vst.idx.msk vm5, v2  }
0xc0: {  	v11 =	vld [tilespmem:s20+$0xB0];
	_ =	sdelay $0x4  }
0xc1: {  	v11 =	vsub.s32 v11, v0  }
0xc2: {  	vm6 =	vgt.s32 v11, $0x0  }
0xc3: {  	v59 =	vnsel vm6, $0x0, v11  }
0xc4: {  	v12 =	vmin.u32 v59, $0x7F  }
0xc5: {  	vm7 =	vlt.u32 v11, $0x80;
	v11 =	vshll.u32 v12, $0x7  }
0xc6: {  	v11 =	vor.u32 v5, v11;
	_ =	sdelay $0x4  }
0xc7: {  	[tilespmem:v11+s15+$0x0] =	vst.idx.msk vm7, v2  }
0xc8: {  	v11 =	vld [tilespmem:s20+$0xC0];
	_ =	sdelay $0x4  }
0xc9: {  	v11 =	vsub.s32 v11, v0  }
0xca: {  	vm8 =	vgt.s32 v11, $0x0  }
0xcb: {  	v60 =	vnsel vm8, $0x0, v11  }
0xcc: {  	v12 =	vmin.u32 v60, $0x7F  }
0xcd: {  	vm9 =	vlt.u32 v11, $0x80;
	v11 =	vshll.u32 v12, $0x7  }
0xce: {  	v11 =	vor.u32 v6, v11;
	_ =	sdelay $0x4  }
0xcf: {  	[tilespmem:v11+s15+$0x0] =	vst.idx.msk vm9, v2  }
0xd0: {  	v11 =	vld [tilespmem:s20+$0xD0];
	_ =	sdelay $0x4  }
0xd1: {  	v11 =	vsub.s32 v11, v0  }
0xd2: {  	vm10 =	vgt.s32 v11, $0x0  }
0xd3: {  	v61 =	vnsel vm10, $0x0, v11  }
0xd4: {  	v12 =	vmin.u32 v61, $0x7F  }
0xd5: {  	vm11 =	vlt.u32 v11, $0x80;
	v11 =	vshll.u32 v12, $0x7  }
0xd6: {  	v11 =	vor.u32 v7, v11;
	_ =	sdelay $0x4  }
0xd7: {  	[tilespmem:v11+s15+$0x0] =	vst.idx.msk vm11, v2  }
0xd8: {  	v11 =	vld [tilespmem:s20+$0xE0];
	_ =	sdelay $0x4  }
0xd9: {  	v11 =	vsub.s32 v11, v0  }
0xda: {  	vm12 =	vgt.s32 v11, $0x0  }
0xdb: {  	v62 =	vnsel vm12, $0x0, v11  }
0xdc: {  	v12 =	vmin.u32 v62, $0x7F  }
0xdd: {  	vm13 =	vlt.u32 v11, $0x80;
	v11 =	vshll.u32 v12, $0x7  }
0xde: {  	v11 =	vor.u32 v8, v11;
	_ =	sdelay $0x4  }
0xdf: {  	[tilespmem:v11+s15+$0x0] =	vst.idx.msk vm13, v2  }
0xe0: {  	v11 =	vld [tilespmem:s20+$0xF0];
	_ =	sdelay $0x4  }
0xe1: {  	v11 =	vsub.s32 v11, v0  }
0xe2: {  	vm14 =	vgt.s32 v11, $0x0  }
0xe3: {  	v63 =	vnsel vm14, $0x0, v11  }
0xe4: {  	v12 =	vmin.u32 v63, $0x7F  }
0xe5: {  	vm15 =	vlt.u32 v11, $0x80;
	v11 =	vshll.u32 v12, $0x7  }
0xe6: {  	s22 =	sadd.s32 s21, s10;
	s21 =	sadd.s32 $0x100, s21;
	v11 =	vor.u32 v9, v11  }
0xe7: {  	p0 =	sne.s32 s21, $0x3D00  }
.Ltmp3:
0xe8: {  	_ = 	snop;
	(pc) =	sbr.rel @!p0 .LBB2_7-.Ltmp3, $4  }
0xe9: {  	_ = 	snop  }
0xea: {  	s22 =	sand.u32 $0x1FFFFF80, s22  }
0xeb: {  	s19 =	sadd.s32 $0x800, s19;
	s22 =	sadd.s32 s2, s22;
	s20 =	sadd.s32 $0x100, s20;
	[tilespmem:v11+s15+$0x0] =	vst.idx.msk vm15, v2  }
0xec: {  	[hbm4b:s22+s12] =	stream.strided.scatter [tilespmem:s15], [sflag:$0x2], $0x4000, s16, s12, $0x38;
	[tilespmem:$0xBD80] =	vst v63  }
.LBB2_2:
0xed: {  	p0 =	seq.s32 s21, $0x0  }
.Ltmp4:
0xee: {  	_ = 	snop;
	(pc) =	sbr.rel @p0 .LBB2_4-.Ltmp4, $1  }
0xef: {  	_ =	sdelay $0x3  }
0xf0: {  	_ =	swait.ge [sflag:s4], $0x4000  }
0xf1: {  	[sflag:s4] =	ssyncset.done $0x0  }
0xf2: {  	[sflag:s4] =	ssyncadd.s32 $0xFFFFC000  }
0xf3: {  	v11 =	vld [tilespmem:s20+$0xFFFFFF00];
	_ =	sdelay $0x4  }
0xf4: {  	v11 =	vsub.s32 v11, v0  }
0xf5: {  	vm0 =	vgt.s32 v11, $0x0  }
0xf6: {  	v12 =	vnsel vm0, $0x0, v11  }
0xf7: {  	v12 =	vmin.u32 v12, $0x7F  }
0xf8: {  	vm13 =	vlt.u32 v11, $0x80;
	v11 =	vshll.u32 v12, $0x7  }
0xf9: {  	v11 =	vor.u32 v1, v11;
	_ =	sdelay $0x4  }
0xfa: {  	[tilespmem:v11+s14+$0x0] =	vst.idx.msk vm13, v10  }
0xfb: {  	v11 =	vld [tilespmem:s20+$0xFFFFFF10];
	_ =	sdelay $0x4  }
0xfc: {  	v11 =	vsub.s32 v11, v0  }
0xfd: {  	vm14 =	vgt.s32 v11, $0x0  }
0xfe: {  	v57 =	vnsel vm14, $0x0, v11  }
0xff: {  	v12 =	vmin.u32 v57, $0x7F  }
0x100: {  	vm15 =	vlt.u32 v11, $0x80;
	v11 =	vshll.u32 v12, $0x7  }
0x101: {  	v11 =	vor.u32 v3, v11;
	_ =	sdelay $0x4  }
0x102: {  	[tilespmem:v11+s14+$0x0] =	vst.idx.msk vm15, v10  }
0x103: {  	v11 =	vld [tilespmem:s20+$0xFFFFFF20];
	_ =	sdelay $0x4  }
0x104: {  	v11 =	vsub.s32 v11, v0  }
0x105: {  	vm4 =	vgt.s32 v11, $0x0  }
0x106: {  	v58 =	vnsel vm4, $0x0, v11  }
0x107: {  	v12 =	vmin.u32 v58, $0x7F  }
0x108: {  	vm5 =	vlt.u32 v11, $0x80;
	v11 =	vshll.u32 v12, $0x7  }
0x109: {  	v11 =	vor.u32 v4, v11;
	_ =	sdelay $0x4  }
0x10a: {  	[tilespmem:v11+s14+$0x0] =	vst.idx.msk vm5, v10  }
0x10b: {  	v11 =	vld [tilespmem:s20+$0xFFFFFF30];
	_ =	sdelay $0x4  }
0x10c: {  	v11 =	vsub.s32 v11, v0  }
0x10d: {  	vm6 =	vgt.s32 v11, $0x0  }
0x10e: {  	v59 =	vnsel vm6, $0x0, v11  }
0x10f: {  	v12 =	vmin.u32 v59, $0x7F  }
0x110: {  	vm7 =	vlt.u32 v11, $0x80;
	v11 =	vshll.u32 v12, $0x7  }
0x111: {  	v11 =	vor.u32 v5, v11;
	_ =	sdelay $0x4  }
0x112: {  	[tilespmem:v11+s14+$0x0] =	vst.idx.msk vm7, v10  }
0x113: {  	v11 =	vld [tilespmem:s20+$0xFFFFFF40];
	_ =	sdelay $0x4  }
0x114: {  	v11 =	vsub.s32 v11, v0  }
0x115: {  	vm8 =	vgt.s32 v11, $0x0  }
0x116: {  	v60 =	vnsel vm8, $0x0, v11  }
0x117: {  	v12 =	vmin.u32 v60, $0x7F  }
0x118: {  	vm9 =	vlt.u32 v11, $0x80;
	v11 =	vshll.u32 v12, $0x7  }
0x119: {  	v11 =	vor.u32 v6, v11;
	_ =	sdelay $0x4  }
0x11a: {  	[tilespmem:v11+s14+$0x0] =	vst.idx.msk vm9, v10  }
0x11b: {  	v11 =	vld [tilespmem:s20+$0xFFFFFF50];
	_ =	sdelay $0x4  }
0x11c: {  	v11 =	vsub.s32 v11, v0  }
0x11d: {  	vm10 =	vgt.s32 v11, $0x0  }
0x11e: {  	v61 =	vnsel vm10, $0x0, v11  }
0x11f: {  	v12 =	vmin.u32 v61, $0x7F  }
0x120: {  	vm11 =	vlt.u32 v11, $0x80;
	v11 =	vshll.u32 v12, $0x7  }
0x121: {  	v11 =	vor.u32 v7, v11;
	_ =	sdelay $0x4  }
0x122: {  	[tilespmem:v11+s14+$0x0] =	vst.idx.msk vm11, v10  }
0x123: {  	v11 =	vld [tilespmem:s20+$0xFFFFFF60];
	_ =	sdelay $0x4  }
0x124: {  	v11 =	vsub.s32 v11, v0  }
0x125: {  	vm12 =	vgt.s32 v11, $0x0  }
0x126: {  	v62 =	vnsel vm12, $0x0, v11  }
0x127: {  	v12 =	vmin.u32 v62, $0x7F  }
0x128: {  	vm13 =	vlt.u32 v11, $0x80;
	v11 =	vshll.u32 v12, $0x7  }
0x129: {  	v11 =	vor.u32 v8, v11;
	_ =	sdelay $0x4  }
0x12a: {  	[tilespmem:v11+s14+$0x0] =	vst.idx.msk vm13, v10  }
0x12b: {  	v11 =	vld [tilespmem:s20+$0xFFFFFF70];
	_ =	sdelay $0x4  }
0x12c: {  	v11 =	vsub.s32 v11, v0  }
0x12d: {  	vm14 =	vgt.s32 v11, $0x0  }
0x12e: {  	v63 =	vnsel vm14, $0x0, v11  }
0x12f: {  	v12 =	vmin.u32 v63, $0x7F  }
0x130: {  	vm15 =	vlt.u32 v11, $0x80;
	v11 =	vshll.u32 v12, $0x7  }
0x131: {  	v11 =	vor.u32 v9, v11;
	_ =	sdelay $0x4  }
0x132: {  	[tilespmem:v11+s14+$0x0] =	vst.idx.msk vm15, v10  }
.LBB2_4:
0x133: {  	v11 =	vld [tilespmem:s20+$0x0];
	_ =	sdelay $0x4  }
0x134: {  	v11 =	vsub.s32 v11, v0  }
0x135: {  	vm0 =	vgt.s32 v11, $0x0  }
0x136: {  	v12 =	vnsel vm0, $0x0, v11  }
0x137: {  	v12 =	vmin.u32 v12, $0x7F  }
0x138: {  	vm13 =	vlt.u32 v11, $0x80;
	v11 =	vshll.u32 v12, $0x7  }
0x139: {  	v11 =	vor.u32 v1, v11;
	_ =	sdelay $0x4  }
0x13a: {  	[tilespmem:v11+s14+$0x0] =	vst.idx.msk vm13, v2  }
0x13b: {  	v11 =	vld [tilespmem:s20+$0x10];
	_ =	sdelay $0x4  }
0x13c: {  	v11 =	vsub.s32 v11, v0  }
0x13d: {  	vm14 =	vgt.s32 v11, $0x0  }
0x13e: {  	v57 =	vnsel vm14, $0x0, v11  }
0x13f: {  	v12 =	vmin.u32 v57, $0x7F  }
0x140: {  	vm15 =	vlt.u32 v11, $0x80;
	v11 =	vshll.u32 v12, $0x7  }
0x141: {  	v11 =	vor.u32 v3, v11;
	_ =	sdelay $0x4  }
0x142: {  	[tilespmem:v11+s14+$0x0] =	vst.idx.msk vm15, v2  }
0x143: {  	v11 =	vld [tilespmem:s20+$0x20];
	_ =	sdelay $0x4  }
0x144: {  	v11 =	vsub.s32 v11, v0  }
0x145: {  	vm4 =	vgt.s32 v11, $0x0  }
0x146: {  	v58 =	vnsel vm4, $0x0, v11  }
0x147: {  	v12 =	vmin.u32 v58, $0x7F  }
0x148: {  	vm5 =	vlt.u32 v11, $0x80;
	v11 =	vshll.u32 v12, $0x7  }
0x149: {  	v11 =	vor.u32 v4, v11;
	_ =	sdelay $0x4  }
0x14a: {  	[tilespmem:v11+s14+$0x0] =	vst.idx.msk vm5, v2  }
0x14b: {  	v11 =	vld [tilespmem:s20+$0x30];
	_ =	sdelay $0x4  }
0x14c: {  	v11 =	vsub.s32 v11, v0  }
0x14d: {  	vm6 =	vgt.s32 v11, $0x0  }
0x14e: {  	v59 =	vnsel vm6, $0x0, v11  }
0x14f: {  	v12 =	vmin.u32 v59, $0x7F  }
0x150: {  	vm7 =	vlt.u32 v11, $0x80;
	v11 =	vshll.u32 v12, $0x7  }
0x151: {  	v11 =	vor.u32 v5, v11;
	_ =	sdelay $0x4  }
0x152: {  	[tilespmem:v11+s14+$0x0] =	vst.idx.msk vm7, v2  }
0x153: {  	v11 =	vld [tilespmem:s20+$0x40];
	_ =	sdelay $0x4  }
0x154: {  	v11 =	vsub.s32 v11, v0  }
0x155: {  	vm8 =	vgt.s32 v11, $0x0  }
0x156: {  	v60 =	vnsel vm8, $0x0, v11  }
0x157: {  	v12 =	vmin.u32 v60, $0x7F  }
0x158: {  	vm9 =	vlt.u32 v11, $0x80;
	v11 =	vshll.u32 v12, $0x7  }
0x159: {  	v11 =	vor.u32 v6, v11;
	_ =	sdelay $0x4  }
0x15a: {  	[tilespmem:v11+s14+$0x0] =	vst.idx.msk vm9, v2  }
0x15b: {  	v11 =	vld [tilespmem:s20+$0x50];
	_ =	sdelay $0x4  }
0x15c: {  	v11 =	vsub.s32 v11, v0  }
0x15d: {  	vm10 =	vgt.s32 v11, $0x0  }
0x15e: {  	v61 =	vnsel vm10, $0x0, v11  }
0x15f: {  	v12 =	vmin.u32 v61, $0x7F  }
0x160: {  	vm11 =	vlt.u32 v11, $0x80;
	v11 =	vshll.u32 v12, $0x7  }
0x161: {  	v11 =	vor.u32 v7, v11;
	_ =	sdelay $0x4  }
0x162: {  	[tilespmem:v11+s14+$0x0] =	vst.idx.msk vm11, v2  }
0x163: {  	v11 =	vld [tilespmem:s20+$0x60];
	_ =	sdelay $0x4  }
0x164: {  	v11 =	vsub.s32 v11, v0  }
0x165: {  	vm12 =	vgt.s32 v11, $0x0  }
0x166: {  	v62 =	vnsel vm12, $0x0, v11  }
0x167: {  	v12 =	vmin.u32 v62, $0x7F  }
0x168: {  	vm13 =	vlt.u32 v11, $0x80;
	v11 =	vshll.u32 v12, $0x7  }
0x169: {  	v11 =	vor.u32 v8, v11;
	_ =	sdelay $0x4  }
0x16a: {  	[tilespmem:v11+s14+$0x0] =	vst.idx.msk vm13, v2  }
0x16b: {  	v11 =	vld [tilespmem:s20+$0x70];
	_ =	sdelay $0x4  }
0x16c: {  	v11 =	vsub.s32 v11, v0  }
0x16d: {  	vm14 =	vgt.s32 v11, $0x0  }
0x16e: {  	v63 =	vnsel vm14, $0x0, v11  }
0x16f: {  	v12 =	vmin.u32 v63, $0x7F  }
0x170: {  	vm15 =	vlt.u32 v11, $0x80;
	v11 =	vshll.u32 v12, $0x7  }
0x171: {  	v11 =	vor.u32 v9, v11;
	_ =	sdelay $0x1  }
.Ltmp5:
0x172: {  	_ = 	snop;
	(pc) =	sbr.rel @p0 .LBB2_6-.Ltmp5, $4  }
0x173: {  	_ = 	snop  }
0x174: {  	s22 =	sshrl.u32 s19, $0x3  }
0x175: {  	s22 =	sadd.s32 s2, s22;
	[tilespmem:v11+s14+$0x0] =	vst.idx.msk vm15, v2  }
0x176: {  	[hbm4b:s22+s12] =	stream.strided.scatter [tilespmem:s14], [sflag:$0x1], $0x4000, s16, s12, $0x38;
	[tilespmem:$0xBD80] =	vst v63  }
0x177: {  	_ =	swait.ge [sflag:s17], $0x4000  }
0x178: {  	[sflag:s17] =	ssyncset.done $0x0  }
0x179: {  	[sflag:s17] =	ssyncadd.s32 $0xFFFFC000  }
0x17a: {  	v11 =	vld [tilespmem:s20+$0xFFFFFF80];
	_ =	sdelay $0x4  }
0x17b: {  	v11 =	vsub.s32 v11, v0  }
0x17c: {  	vm0 =	vgt.s32 v11, $0x0  }
0x17d: {  	v12 =	vnsel vm0, $0x0, v11  }
0x17e: {  	v12 =	vmin.u32 v12, $0x7F  }
0x17f: {  	vm13 =	vlt.u32 v11, $0x80;
	v11 =	vshll.u32 v12, $0x7  }
0x180: {  	v11 =	vor.u32 v1, v11;
	_ =	sdelay $0x4  }
0x181: {  	[tilespmem:v11+s15+$0x0] =	vst.idx.msk vm13, v10  }
0x182: {  	v11 =	vld [tilespmem:s20+$0xFFFFFF90];
	_ =	sdelay $0x4  }
0x183: {  	v11 =	vsub.s32 v11, v0  }
0x184: {  	vm14 =	vgt.s32 v11, $0x0  }
0x185: {  	v57 =	vnsel vm14, $0x0, v11  }
0x186: {  	v12 =	vmin.u32 v57, $0x7F  }
0x187: {  	vm15 =	vlt.u32 v11, $0x80;
	v11 =	vshll.u32 v12, $0x7  }
0x188: {  	v11 =	vor.u32 v3, v11;
	_ =	sdelay $0x4  }
0x189: {  	[tilespmem:v11+s15+$0x0] =	vst.idx.msk vm15, v10  }
0x18a: {  	v11 =	vld [tilespmem:s20+$0xFFFFFFA0];
	_ =	sdelay $0x4  }
0x18b: {  	v11 =	vsub.s32 v11, v0  }
0x18c: {  	vm4 =	vgt.s32 v11, $0x0  }
0x18d: {  	v58 =	vnsel vm4, $0x0, v11  }
0x18e: {  	v12 =	vmin.u32 v58, $0x7F  }
0x18f: {  	vm5 =	vlt.u32 v11, $0x80;
	v11 =	vshll.u32 v12, $0x7  }
0x190: {  	v11 =	vor.u32 v4, v11;
	_ =	sdelay $0x4  }
0x191: {  	[tilespmem:v11+s15+$0x0] =	vst.idx.msk vm5, v10  }
0x192: {  	v11 =	vld [tilespmem:s20+$0xFFFFFFB0];
	_ =	sdelay $0x4  }
0x193: {  	v11 =	vsub.s32 v11, v0  }
0x194: {  	vm6 =	vgt.s32 v11, $0x0  }
0x195: {  	v59 =	vnsel vm6, $0x0, v11  }
0x196: {  	v12 =	vmin.u32 v59, $0x7F  }
0x197: {  	vm7 =	vlt.u32 v11, $0x80;
	v11 =	vshll.u32 v12, $0x7  }
0x198: {  	v11 =	vor.u32 v5, v11;
	_ =	sdelay $0x4  }
0x199: {  	[tilespmem:v11+s15+$0x0] =	vst.idx.msk vm7, v10  }
0x19a: {  	v11 =	vld [tilespmem:s20+$0xFFFFFFC0];
	_ =	sdelay $0x4  }
0x19b: {  	v11 =	vsub.s32 v11, v0  }
0x19c: {  	vm8 =	vgt.s32 v11, $0x0  }
0x19d: {  	v60 =	vnsel vm8, $0x0, v11  }
0x19e: {  	v12 =	vmin.u32 v60, $0x7F  }
0x19f: {  	vm9 =	vlt.u32 v11, $0x80;
	v11 =	vshll.u32 v12, $0x7  }
0x1a0: {  	v11 =	vor.u32 v6, v11;
	_ =	sdelay $0x4  }
0x1a1: {  	[tilespmem:v11+s15+$0x0] =	vst.idx.msk vm9, v10  }
0x1a2: {  	v11 =	vld [tilespmem:s20+$0xFFFFFFD0];
	_ =	sdelay $0x4  }
0x1a3: {  	v11 =	vsub.s32 v11, v0  }
0x1a4: {  	vm10 =	vgt.s32 v11, $0x0  }
0x1a5: {  	v61 =	vnsel vm10, $0x0, v11  }
0x1a6: {  	v12 =	vmin.u32 v61, $0x7F  }
0x1a7: {  	vm11 =	vlt.u32 v11, $0x80;
	v11 =	vshll.u32 v12, $0x7  }
0x1a8: {  	v11 =	vor.u32 v7, v11;
	_ =	sdelay $0x4  }
0x1a9: {  	[tilespmem:v11+s15+$0x0] =	vst.idx.msk vm11, v10  }
0x1aa: {  	v11 =	vld [tilespmem:s20+$0xFFFFFFE0];
	_ =	sdelay $0x4  }
0x1ab: {  	v11 =	vsub.s32 v11, v0  }
0x1ac: {  	vm12 =	vgt.s32 v11, $0x0  }
0x1ad: {  	v62 =	vnsel vm12, $0x0, v11  }
0x1ae: {  	v12 =	vmin.u32 v62, $0x7F  }
0x1af: {  	vm13 =	vlt.u32 v11, $0x80;
	v11 =	vshll.u32 v12, $0x7  }
0x1b0: {  	v11 =	vor.u32 v8, v11;
	_ =	sdelay $0x4  }
0x1b1: {  	[tilespmem:v11+s15+$0x0] =	vst.idx.msk vm13, v10  }
0x1b2: {  	v11 =	vld [tilespmem:s20+$0xFFFFFFF0];
	_ =	sdelay $0x4  }
0x1b3: {  	v11 =	vsub.s32 v11, v0  }
0x1b4: {  	vm14 =	vgt.s32 v11, $0x0  }
0x1b5: {  	v63 =	vnsel vm14, $0x0, v11  }
0x1b6: {  	v12 =	vmin.u32 v63, $0x7F  }
0x1b7: {  	vm15 =	vlt.u32 v11, $0x80;
	v11 =	vshll.u32 v12, $0x7  }
0x1b8: {  	v11 =	vor.u32 v9, v11  }
.Ltmp6:
0x1b9: {  	_ = 	snop;
	(pc) =	sbr.rel .LBB2_6-.Ltmp6, $2  }
0x1ba: {  	_ =	sdelay $0x2  }
0x1bb: {  	[tilespmem:v11+s15+$0x0] =	vst.idx.msk vm15, v10  }
.LBB2_8:
0x1bc: {  	_ =	sfence.sel $0x180000  }
0x1bd: {  	[bflag:$0x0] =	sbarrier.arrive $0xFFFF  }
0x1be: {  	p0 =	sne.s32 s0, $0x0;
	_ =	strace $0x90000047  }
0x1bf: {  	s0 =	sadd.s32 @!p0 $0x100000, s1;
	[bflag:$0x2] =	sbarrier.arrive $0xFFFF  }
0x1c0: {  	[sflag:s0] =	ssyncadd.tile.s32 @!p0 $0x1;
	_ =	shalt  }
.Lfunc_end2:
_tile_overlayer_lowered:
.L_overlay_start_2:
0x1c1: {  	(tag) =	ssettag $0x2  }
0x1c2: {  	s0 =	rddreg [dreg:$0x0];
	s2 =	stileid.u32  }
0x1c3: {  	s1 =	rddreg [dreg:$0x1];
	p0 =	sne.s32 s2, $0x0  }
0x1c4: {  	s3 =	rddreg [dreg:$0x2];
	[bflag:$0x3] =	sbarrier.arrive $0xFFFF;
	s2 =	simm.s32 @!p0 $0x1C03  }
0x1c5: {  	[timem:s3], [sflag:s2] =	dma.local @!p0 [hbm:s0], s1  }
0x1c6: {  	s0 =	simm.s32 @!p0 $0x3  }
0x1c7: {  	_ =	swait.ge @!p0 [sflag:s0], s1  }
0x1c8: {  	s1 =	ssub.s32 @!p0 $0x0, s1;
	[sflag:s0] =	ssyncset.done @!p0 $0x0  }
0x1c9: {  	[sflag:s0] =	ssyncadd.s32 @!p0 s1  }
0x1ca: {  	[bflag:$0x3] =	sbarrier.arrive $0xFFFF  }
0x1cb: {  	_ =	shalt  }

</sc_bundles>
